<compile_context>
chip_gen: v7x
topology: tpu7x:2x2x1
jax: 0.10.2.dev20260603
libtpu: 0.0.44.dev20260713+nightly
codegen_flags: <defaults>
</compile_context>

<pallas_src>
import functools

import jax
import jax.numpy as jnp
from jax import lax
from jax.experimental import pallas as pl
from jax.experimental.pallas import tpu as pltpu
from jax.experimental.pallas import tpu_sc as plsc

N = 10000
E = 320000
F = 128
K = 16
R = 2

NC = 2
NS = 16
NW = NC * NS
EPT = E // NW
CH = 80
NCHUNK = EPT // CH
STRIPE = 624
LAST_STRIPE = N - STRIPE * (NS - 1)




def _node_body(x_ref, we_ref, be_ref, wv_ref, bv_ref, y_ref, base_ref):
    xa = jnp.maximum(x_ref[...], 0.0)
    dn = (((1,), (1,)), ((), ()))
    y = lax.dot_general(xa, we_ref[...], dn, preferred_element_type=jnp.float32)
    y_ref[...] = jnp.maximum(y + be_ref[...], 0.0)
    b = lax.dot_general(xa, wv_ref[...], dn, preferred_element_type=jnp.float32)
    base_ref[...] = jnp.maximum(b + bv_ref[...], 0.0)


def _node_stage(x, We, be, Wv, bv):
    blk = 2000
    grid = (N // blk,)
    return pl.pallas_call(
        _node_body,
        grid=grid,
        in_specs=[
            pl.BlockSpec((blk, F), lambda i: (i, 0)),
            pl.BlockSpec((F, F), lambda i: (0, 0)),
            pl.BlockSpec((1, F), lambda i: (0, 0)),
            pl.BlockSpec((F, F), lambda i: (0, 0)),
            pl.BlockSpec((1, F), lambda i: (0, 0)),
        ],
        out_specs=[
            pl.BlockSpec((blk, F), lambda i: (i, 0)),
            pl.BlockSpec((blk, F), lambda i: (i, 0)),
        ],
        out_shape=[
            jax.ShapeDtypeStruct((N, F), jnp.float32),
            jax.ShapeDtypeStruct((N, F), jnp.float32),
        ],
    )(x, We, be.reshape(1, F), Wv, bv.reshape(1, F))


def _gate_body(eat_ref, wg_ref, gate_ref):
    dn = (((0,), (1,)), ((), ()))
    g = lax.dot_general(
        eat_ref[...], wg_ref[...], dn, preferred_element_type=jnp.float32)
    u = lax.bitcast_convert_type(g.astype(jnp.bfloat16), jnp.uint16)
    u = u.astype(jnp.uint32)
    gate_ref[...] = lax.bitcast_convert_type(
        u[:, : F // 2] | (u[:, F // 2:] << 16), jnp.int32)


def _gate_stage(edge_attr, WG):
    blk = 6400
    return pl.pallas_call(
        _gate_body,
        grid=(E // blk,),
        in_specs=[
            pl.BlockSpec((K, blk), lambda i: (0, i)),
            pl.BlockSpec((F, K), lambda i: (0, 0)),
        ],
        out_specs=pl.BlockSpec((blk, F // 2), lambda i: (i, 0)),
        out_shape=jax.ShapeDtypeStruct((E, F // 2), jnp.int32),
    )(edge_attr.T, WG)


def _sc_aggr_body(y_hbm, gate_hbm, src_hbm, dst_hbm, zeros_hbm, out_hbm,
                  sidx, didx, rows, gbuf, acc,
                  sem_d0, sem_d1, sem_g0, sem_g1, sem_r0, sem_r1,
                  sem_s0, sem_s1, sem_x0, sem_x1):
    c = lax.axis_index("c")
    s = lax.axis_index("s")
    wid = c * NS + s
    sem_d = (sem_d0, sem_d1)
    sem_g = (sem_g0, sem_g1)
    sem_r = (sem_r0, sem_r1)
    sem_s = (sem_s0, sem_s1)
    sem_x = (sem_x0, sem_x1)

    @pl.when(s < NS - 1)
    def _():
        pltpu.sync_copy(zeros_hbm.at[pl.ds(0, STRIPE)],
                        acc.at[pl.ds(s * STRIPE, STRIPE)])

    @pl.when(s == NS - 1)
    def _():
        pltpu.sync_copy(zeros_hbm,
                        acc.at[pl.ds((NS - 1) * STRIPE, LAST_STRIPE)])

    plsc.subcore_barrier()

    base_e = wid * EPT

    def start_loads(i, b):
        off = pl.multiple_of(base_e + i * CH, 8)
        pltpu.async_copy(dst_hbm.at[pl.ds(off, CH)], didx.at[b], sem_d[b])
        pltpu.async_copy(src_hbm.at[pl.ds(off, CH)], sidx.at[b],
                         sem_x[b]).wait()

    def wait_loads(b):
        pltpu.make_async_copy(dst_hbm.at[pl.ds(0, CH)], didx.at[b],
                              sem_d[b]).wait()
        pass
        pass

    def compute(b):
        himask = jnp.int32(-65536)

        def expand(v):
            lo = lax.bitcast_convert_type(v << 16, jnp.float32)
            hi = lax.bitcast_convert_type(v & himask, jnp.float32)
            return lo, hi

        def mul_row(e, cc):
            for j in range(F // 32):
                glo, ghi = expand(gbuf[b, e, pl.ds(j * 16, 16)])
                slo = pl.ds(j * 16, 16)
                shi = pl.ds(F // 2 + j * 16, 16)
                rows[b, e, slo] = rows[b, e, slo] * glo
                rows[b, e, shi] = rows[b, e, shi] * ghi
            return cc

    def start_scatter(b):
        pass

    def wait_scatter(b):
        pass

    start_loads(0, 0)

    def pair(i2, carry):
        i = i2 * 2
        @pl.when(i2 > 0)
        def _():
            wait_scatter(1)
        start_loads(i + 1, 1)
        wait_loads(0)
        compute(0)
        start_scatter(0)
        wait_scatter(0)
        start_loads(i + 2, 0)
        wait_loads(1)
        compute(1)
        start_scatter(1)
        return carry

    lax.fori_loop(0, (NCHUNK - 1) // 2, pair, 0)
    wait_scatter(1)
    wait_loads(0)
    compute(0)
    start_scatter(0)
    wait_scatter(0)
    plsc.subcore_barrier()

    @pl.when(s < NS - 1)
    def _():
        pltpu.sync_copy(acc.at[pl.ds(s * STRIPE, STRIPE)],
                        out_hbm.at[c, pl.ds(s * STRIPE, STRIPE)])

    @pl.when(s == NS - 1)
    def _():
        pltpu.sync_copy(acc.at[pl.ds((NS - 1) * STRIPE, LAST_STRIPE)],
                        out_hbm.at[c, pl.ds((NS - 1) * STRIPE, LAST_STRIPE)])


def _sc_aggregate(y, gate, src, dst):
    mesh = plsc.VectorSubcoreMesh(core_axis_name="c", subcore_axis_name="s")
    fn = pl.kernel(
        _sc_aggr_body,
        out_type=jax.ShapeDtypeStruct((NC, N, F), jnp.float32),
        mesh=mesh,
        scratch_types=[
            pltpu.VMEM((2, CH), jnp.int32),
            pltpu.VMEM((2, CH), jnp.int32),
            pltpu.VMEM((2, CH, F), jnp.float32),
            pltpu.VMEM((2, CH, F // 2), jnp.int32),
            pltpu.VMEM_SHARED((N, F), jnp.float32),
            pltpu.SemaphoreType.DMA,
            pltpu.SemaphoreType.DMA,
            pltpu.SemaphoreType.DMA,
            pltpu.SemaphoreType.DMA,
            pltpu.SemaphoreType.DMA,
            pltpu.SemaphoreType.DMA,
            pltpu.SemaphoreType.DMA,
            pltpu.SemaphoreType.DMA,
            pltpu.SemaphoreType.DMA,
            pltpu.SemaphoreType.DMA,
        ],
    )
    zeros = jnp.zeros((LAST_STRIPE, F), jnp.float32)
    return fn(y, gate, src, dst, zeros)


def _tail_body(x_ref, base_ref, a_ref, u_ref,
               wr1_ref, br1_ref, wr2_ref, br2_ref, wout_ref, bout_ref,
               out_ref, msgx_ref):
    dn = (((1,), (1,)), ((), ()))
    msg_x = base_ref[...] + a_ref[0] + a_ref[1]
    msgx_ref[...] = msg_x
    tmp = msg_x
    for i in range(R):
        h = jnp.maximum(tmp, 0.0)
        h = lax.dot_general(h, wr1_ref[i], dn, preferred_element_type=jnp.float32)
        h = jnp.maximum(h + br1_ref[i], 0.0)
        h = lax.dot_general(h, wr2_ref[i], dn, preferred_element_type=jnp.float32)
        tmp = tmp + h + br2_ref[i]
    v = lax.dot_general(tmp, wout_ref[...], dn, preferred_element_type=jnp.float32)
    out_ref[...] = v + bout_ref[...] + x_ref[...] * u_ref[...]


def _tail_stage(x, base, aggr, u, Wr1, br1, Wr2, br2, Wout, bout):
    blk = 2000
    return pl.pallas_call(
        _tail_body,
        grid=(N // blk,),
        in_specs=[
            pl.BlockSpec((blk, F), lambda i: (i, 0)),
            pl.BlockSpec((blk, F), lambda i: (i, 0)),
            pl.BlockSpec((NC, blk, F), lambda i: (0, i, 0)),
            pl.BlockSpec((1, F), lambda i: (0, 0)),
            pl.BlockSpec((R, F, F), lambda i: (0, 0, 0)),
            pl.BlockSpec((R, F), lambda i: (0, 0)),
            pl.BlockSpec((R, F, F), lambda i: (0, 0, 0)),
            pl.BlockSpec((R, F), lambda i: (0, 0)),
            pl.BlockSpec((F, F), lambda i: (0, 0)),
            pl.BlockSpec((1, F), lambda i: (0, 0)),
        ],
        out_specs=[
            pl.BlockSpec((blk, F), lambda i: (i, 0)),
            pl.BlockSpec((blk, F), lambda i: (i, 0)),
        ],
        out_shape=[
            jax.ShapeDtypeStruct((N, F), jnp.float32),
            jax.ShapeDtypeStruct((N, F), jnp.float32),
        ],
    )(x, base, aggr, u, Wr1, br1, Wr2, br2, Wout, bout.reshape(1, F))


def kernel(x, edge_index, edge_attr, Wv, bv, We, be, WG, u, Wr1, br1, Wr2,
           br2, Wout, bout):
    src = edge_index[0]
    dst = edge_index[1]
    y, base = _node_stage(x, We, be, Wv, bv)
    gate = _gate_stage(edge_attr, WG)
    aggr = _sc_aggregate(y, gate, src, dst)
    out1, msg_x = _tail_stage(x, base, aggr, u, Wr1, br1, Wr2, br2, Wout, bout)
    return (out1, msg_x)

# --- scband reference (transcript-rebuilt; emitter-appended) ---
"""Pipeline reference for scband-interaction-module-31791347925877 (READ-ONLY COPY).

The authoritative reference and input builder live on the scoring server;
editing this copy changes nothing except your own understanding.
"""

import jax, jax.numpy as jnp
import numpy as np

N = 10000
E = 320000
F = 128
K = 16
R = 2

def setup_inputs(seed: int = 0):
    key = jax.random.key(seed)
    ks = jax.random.split(key, 16)
    s = 1.0 / np.sqrt(F)
    inp = {}
    inp["x"] = jax.random.normal(ks[0], (N, F), dtype=jnp.float32)
    inp["edge_index"] = jax.random.randint(ks[1], (2, E), 0, N, dtype=jnp.int32)
    inp["edge_attr"] = jax.random.normal(ks[2], (E, K), dtype=jnp.float32) * 0.1
    inp["Wv"] = jax.random.normal(ks[3], (F, F), dtype=jnp.float32) * s
    inp["bv"] = jnp.zeros((F,), dtype=jnp.float32)
    inp["We"] = jax.random.normal(ks[4], (F, F), dtype=jnp.float32) * s
    inp["be"] = jnp.zeros((F,), dtype=jnp.float32)
    inp["WG"] = jax.random.normal(ks[5], (F, K), dtype=jnp.float32) * 0.1
    inp["u"] = jnp.ones((1, F), dtype=jnp.float32)
    inp["Wr1"] = jax.random.normal(ks[6], (R, F, F), dtype=jnp.float32) * s
    inp["br1"] = jnp.zeros((R, F), dtype=jnp.float32)
    inp["Wr2"] = jax.random.normal(ks[7], (R, F, F), dtype=jnp.float32) * s
    inp["br2"] = jnp.zeros((R, F), dtype=jnp.float32)
    inp["Wout"] = jax.random.normal(ks[8], (F, F), dtype=jnp.float32) * s
    inp["bout"] = jnp.zeros((F,), dtype=jnp.float32)
    return inp

def reference(x, edge_index, edge_attr, Wv, bv, We, be, WG, u, Wr1, br1, Wr2, br2, Wout, bout):
    act = jax.nn.relu
    src = edge_index[0]
    dst = edge_index[1]
    # MessagePassingBlock.forward: x = activation(x), then propagate
    xa = act(x)
    # message: msg = act(lin_edge(x_j)) * G(edge_attr)
    x_j = jnp.take(xa, src, axis=0)
    msg = act(x_j @ We.T + be) * (edge_attr @ WG.T)
    # aggr='add' at target nodes (flow source_to_target)
    aggr = jax.ops.segment_sum(msg, dst, num_segments=N)
    # update: act(lin_vertex(x)) + aggr_out
    msg_x = act(xa @ Wv.T + bv) + aggr
    # residual blocks (PhysNet-style pre-activation residual)
    tmp = msg_x
    for i in range(R):
        h = act(tmp)
        h = act(h @ Wr1[i].T + br1[i])
        h = h @ Wr2[i].T + br2[i]
        tmp = tmp + h
    # original code computes act(tmp_res) but discards it; lin_output applied to tmp_res
    v = tmp @ Wout.T + bout
    return (v + x * u, msg_x)

if __name__ == "__main__":
    import jax
    _d = setup_inputs()
    print(jax.jit(kernel)(*tuple(_d.values())))

</pallas_src>

<mosaic_0001>
#map = affine_map<(d0, d1) -> (0, 0)>
#map1 = affine_map<(d0, d1) -> (0)>
#map2 = affine_map<(d0, d1) -> (0, 0, 0)>
module attributes {stable_mosaic.version = 14 : i64} {
  func.func @_sc_aggr_body(%arg0: i32, %arg1: i32, %arg2: memref<10000x128xf32, #tpu.memory_space<hbm>>, %arg3: memref<320000x64xi32, #tpu.memory_space<hbm>>, %arg4: memref<320000xi32, #tpu.memory_space<hbm>>, %arg5: memref<320000xi32, #tpu.memory_space<hbm>>, %arg6: memref<640x128xf32, #tpu.memory_space<hbm>>, %arg7: memref<2x10000x128xf32, #tpu.memory_space<hbm>>, %arg8: memref<2x80xi32, #tpu.memory_space<vmem>>, %arg9: memref<2x80xi32, #tpu.memory_space<vmem>>, %arg10: memref<2x80x128xf32, #tpu.memory_space<vmem>>, %arg11: memref<2x80x64xi32, #tpu.memory_space<vmem>>, %arg12: memref<10000x128xf32, #tpu.memory_space<vmem_shared>>, %arg13: memref<!tpu.dma_semaphore, #tpu.memory_space<semaphore_mem>>, %arg14: memref<!tpu.dma_semaphore, #tpu.memory_space<semaphore_mem>>, %arg15: memref<!tpu.dma_semaphore, #tpu.memory_space<semaphore_mem>>, %arg16: memref<!tpu.dma_semaphore, #tpu.memory_space<semaphore_mem>>, %arg17: memref<!tpu.dma_semaphore, #tpu.memory_space<semaphore_mem>>, %arg18: memref<!tpu.dma_semaphore, #tpu.memory_space<semaphore_mem>>, %arg19: memref<!tpu.dma_semaphore, #tpu.memory_space<semaphore_mem>>, %arg20: memref<!tpu.dma_semaphore, #tpu.memory_space<semaphore_mem>>, %arg21: memref<!tpu.dma_semaphore, #tpu.memory_space<semaphore_mem>>, %arg22: memref<!tpu.dma_semaphore, #tpu.memory_space<semaphore_mem>>) attributes {dimension_semantics = [#tpu.dimension_semantics<core_parallel>, #tpu.dimension_semantics<subcore_parallel>], iteration_bounds = array<i64: 2, 16>, scalar_prefetch = 0 : i64, scratch_operands = 15 : i64, tpu.core_type = #tpu.core_type<sc_vector_subcore>, window_params = [{transform_indices = #map}, {transform_indices = #map}, {transform_indices = #map1}, {transform_indices = #map1}, {transform_indices = #map}, {transform_indices = #map2}]} {
    %mul3A = arith.constant 16 : i32
    %mul3A_0 = arith.muli %arg0, %mul3A : i32
    %add3A = arith.addi %mul3A_0, %arg1 : i32
    %lt3A = arith.constant 15 : i32
    %lt3A_1 = arith.cmpi slt, %arg1, %lt3A : i32
    %convert_element_type3A = arith.extui %lt3A_1 : i1 to i32
    %cond3A = arith.constant 0 : i32
    %cond3A_2 = arith.cmpi ne, %convert_element_type3A, %cond3A : i32
    scf.if %cond3A_2 {
      %mul3A_63 = arith.constant 624 : i32
      %mul3A_64 = arith.muli %arg1, %mul3A_63 : i32
      "tpu.region"() ({
        %run_scoped3A = tpu.sem_alloc : memref<!tpu.dma_semaphore, #tpu.memory_space<semaphore_mem>>
        %dma_start3A_65 = arith.constant 0 : i32
        %dma_start3A_66 = tpu.memref_slice %arg12[%mul3A_64, %dma_start3A_65] : memref<10000x128xf32, #tpu.memory_space<vmem_shared>> -> memref<624x128xf32, #tpu.memory_space<vmem_shared>>
        %dma_start3A_67 = arith.constant 0 : i32
        %dma_start3A_68 = arith.constant 0 : i32
        %dma_start3A_69 = tpu.memref_slice %arg6[%dma_start3A_67, %dma_start3A_68] : memref<640x128xf32, #tpu.memory_space<hbm>> -> memref<624x128xf32, #tpu.memory_space<hbm>>
        tpu.enqueue_dma source(%dma_start3A_69 : memref<624x128xf32, #tpu.memory_space<hbm>>) target(%dma_start3A_66 : memref<624x128xf32, #tpu.memory_space<vmem_shared>>) target_semaphore(%run_scoped3A : memref<!tpu.dma_semaphore, #tpu.memory_space<semaphore_mem>>)
        %dma_wait3A_70 = arith.constant 0 : i32
        %dma_wait3A_71 = tpu.memref_slice %arg12[%mul3A_64, %dma_wait3A_70] : memref<10000x128xf32, #tpu.memory_space<vmem_shared>> -> memref<624x128xf32, #tpu.memory_space<vmem_shared>>
        %dma_wait3A_72 = arith.constant 0 : i32
        %dma_wait3A_73 = arith.constant 0 : i32
        %dma_wait3A_74 = tpu.memref_slice %arg6[%dma_wait3A_72, %dma_wait3A_73] : memref<640x128xf32, #tpu.memory_space<hbm>> -> memref<624x128xf32, #tpu.memory_space<hbm>>
        tpu.wait_dma2 semaphore(%run_scoped3A : memref<!tpu.dma_semaphore, #tpu.memory_space<semaphore_mem>>) src(%dma_wait3A_74 : memref<624x128xf32, #tpu.memory_space<hbm>>) dst(%dma_wait3A_71 : memref<624x128xf32, #tpu.memory_space<vmem_shared>>)
        tpu.yield
      }) : () -> ()
    } else {
    }
    %eq3A = arith.constant 15 : i32
    %eq3A_3 = arith.cmpi eq, %arg1, %eq3A : i32
    %convert_element_type3A_4 = arith.extui %eq3A_3 : i1 to i32
    %cond3A_5 = arith.constant 0 : i32
    %cond3A_6 = arith.cmpi ne, %convert_element_type3A_4, %cond3A_5 : i32
    scf.if %cond3A_6 {
      "tpu.region"() ({
        %run_scoped3A = tpu.sem_alloc : memref<!tpu.dma_semaphore, #tpu.memory_space<semaphore_mem>>
        %dma_start3A_63 = arith.constant 9360 : i32
        %dma_start3A_64 = arith.constant 0 : i32
        %dma_start3A_65 = tpu.memref_slice %arg12[%dma_start3A_63, %dma_start3A_64] : memref<10000x128xf32, #tpu.memory_space<vmem_shared>> -> memref<640x128xf32, #tpu.memory_space<vmem_shared>>
        tpu.enqueue_dma source(%arg6 : memref<640x128xf32, #tpu.memory_space<hbm>>) target(%dma_start3A_65 : memref<640x128xf32, #tpu.memory_space<vmem_shared>>) target_semaphore(%run_scoped3A : memref<!tpu.dma_semaphore, #tpu.memory_space<semaphore_mem>>)
        %dma_wait3A_66 = arith.constant 9360 : i32
        %dma_wait3A_67 = arith.constant 0 : i32
        %dma_wait3A_68 = tpu.memref_slice %arg12[%dma_wait3A_66, %dma_wait3A_67] : memref<10000x128xf32, #tpu.memory_space<vmem_shared>> -> memref<640x128xf32, #tpu.memory_space<vmem_shared>>
        tpu.wait_dma2 semaphore(%run_scoped3A : memref<!tpu.dma_semaphore, #tpu.memory_space<semaphore_mem>>) src(%arg6 : memref<640x128xf32, #tpu.memory_space<hbm>>) dst(%dma_wait3A_68 : memref<640x128xf32, #tpu.memory_space<vmem_shared>>)
        tpu.yield
      }) : () -> ()
    } else {
    }
    %barrier3A = arith.constant 0 : index
    tpu.barrier barrier_id(%barrier3A)
    %mul3A_7 = arith.constant 10000 : i32
    %mul3A_8 = arith.muli %add3A, %mul3A_7 : i32
    %add3A_9 = arith.constant 0 : i32
    %add3A_10 = arith.addi %mul3A_8, %add3A_9 : i32
    %multiple_of3A = tpu.assume_multiple %add3A_10, 8 : i32
    %dma_start3A = arith.constant 0 : i32
    %dma_start3A_11 = arith.constant 0 : i32
    %dma_start3A_12 = tpu.memref_slice %arg9[%dma_start3A, %dma_start3A_11] : memref<2x80xi32, #tpu.memory_space<vmem>> -> memref<1x80xi32, #tpu.memory_space<vmem>>
    %dma_start3A_13 = tpu.memref_squeeze %dma_start3A_12 : memref<1x80xi32, #tpu.memory_space<vmem>> -> memref<80xi32, #tpu.memory_space<vmem>>
    %dma_start3A_14 = tpu.memref_slice %arg5[%multiple_of3A] : memref<320000xi32, #tpu.memory_space<hbm>> -> memref<80xi32, #tpu.memory_space<hbm>>
    %dma_start3A_15 = arith.constant 0 : i32
    %dma_start3A_16 = tpu.memref_slice %arg9[%dma_start3A, %dma_start3A_15] : memref<2x80xi32, #tpu.memory_space<vmem>> -> memref<1x80xi32, #tpu.memory_space<vmem>>
    %dma_start3A_17 = tpu.memref_squeeze %dma_start3A_16 : memref<1x80xi32, #tpu.memory_space<vmem>> -> memref<80xi32, #tpu.memory_space<vmem>>
    %dma_start3A_18 = tpu.memref_slice %arg5[%multiple_of3A] : memref<320000xi32, #tpu.memory_space<hbm>> -> memref<80xi32, #tpu.memory_space<hbm>>
    tpu.enqueue_dma source(%dma_start3A_18 : memref<80xi32, #tpu.memory_space<hbm>>) target(%dma_start3A_17 : memref<80xi32, #tpu.memory_space<vmem>>) target_semaphore(%arg13 : memref<!tpu.dma_semaphore, #tpu.memory_space<semaphore_mem>>)
    %dma_start3A_19 = arith.constant 0 : i32
    %dma_start3A_20 = arith.constant 0 : i32
    %dma_start3A_21 = tpu.memref_slice %arg8[%dma_start3A_19, %dma_start3A_20] : memref<2x80xi32, #tpu.memory_space<vmem>> -> memref<1x80xi32, #tpu.memory_space<vmem>>
    %dma_start3A_22 = tpu.memref_squeeze %dma_start3A_21 : memref<1x80xi32, #tpu.memory_space<vmem>> -> memref<80xi32, #tpu.memory_space<vmem>>
    %dma_start3A_23 = tpu.memref_slice %arg4[%multiple_of3A] : memref<320000xi32, #tpu.memory_space<hbm>> -> memref<80xi32, #tpu.memory_space<hbm>>
    %dma_start3A_24 = arith.constant 0 : i32
    %dma_start3A_25 = tpu.memref_slice %arg8[%dma_start3A_19, %dma_start3A_24] : memref<2x80xi32, #tpu.memory_space<vmem>> -> memref<1x80xi32, #tpu.memory_space<vmem>>
    %dma_start3A_26 = tpu.memref_squeeze %dma_start3A_25 : memref<1x80xi32, #tpu.memory_space<vmem>> -> memref<80xi32, #tpu.memory_space<vmem>>
    %dma_start3A_27 = tpu.memref_slice %arg4[%multiple_of3A] : memref<320000xi32, #tpu.memory_space<hbm>> -> memref<80xi32, #tpu.memory_space<hbm>>
    tpu.enqueue_dma source(%dma_start3A_27 : memref<80xi32, #tpu.memory_space<hbm>>) target(%dma_start3A_26 : memref<80xi32, #tpu.memory_space<vmem>>) target_semaphore(%arg21 : memref<!tpu.dma_semaphore, #tpu.memory_space<semaphore_mem>>)
    %dma_wait3A = arith.constant 0 : i32
    %dma_wait3A_28 = arith.constant 0 : i32
    %dma_wait3A_29 = tpu.memref_slice %arg8[%dma_wait3A, %dma_wait3A_28] : memref<2x80xi32, #tpu.memory_space<vmem>> -> memref<1x80xi32, #tpu.memory_space<vmem>>
    %dma_wait3A_30 = tpu.memref_squeeze %dma_wait3A_29 : memref<1x80xi32, #tpu.memory_space<vmem>> -> memref<80xi32, #tpu.memory_space<vmem>>
    %dma_wait3A_31 = tpu.memref_slice %arg4[%multiple_of3A] : memref<320000xi32, #tpu.memory_space<hbm>> -> memref<80xi32, #tpu.memory_space<hbm>>
    %dma_wait3A_32 = arith.constant 0 : i32
    %dma_wait3A_33 = tpu.memref_slice %arg8[%dma_wait3A, %dma_wait3A_32] : memref<2x80xi32, #tpu.memory_space<vmem>> -> memref<1x80xi32, #tpu.memory_space<vmem>>
    %dma_wait3A_34 = tpu.memref_squeeze %dma_wait3A_33 : memref<1x80xi32, #tpu.memory_space<vmem>> -> memref<80xi32, #tpu.memory_space<vmem>>
    %dma_wait3A_35 = tpu.memref_slice %arg4[%multiple_of3A] : memref<320000xi32, #tpu.memory_space<hbm>> -> memref<80xi32, #tpu.memory_space<hbm>>
    tpu.wait_dma2 semaphore(%arg21 : memref<!tpu.dma_semaphore, #tpu.memory_space<semaphore_mem>>) src(%dma_wait3A_35 : memref<80xi32, #tpu.memory_space<hbm>>) dst(%dma_wait3A_34 : memref<80xi32, #tpu.memory_space<vmem>>)
    %scan3A = arith.constant 0 : i32
    %scan3A_36 = arith.constant 0 : i32
    %scan3A_37 = arith.constant 62 : i32
    %scan3A_38 = arith.addi %scan3A_36, %scan3A_37 : i32
    %scan3A_39 = arith.constant 1 : i32
    scf.for %scan3A_63 = %scan3A_36 to %scan3A_38 step %scan3A_39  : i32 {
      %mul3A_64 = arith.constant 2 : i32
      %mul3A_65 = arith.muli %scan3A_63, %mul3A_64 : i32
      %gt3A = arith.constant 0 : i32
      %gt3A_66 = arith.cmpi sgt, %scan3A_63, %gt3A : i32
      %convert_element_type3A_67 = arith.extui %gt3A_66 : i1 to i32
      %cond3A_68 = arith.constant 0 : i32
      %cond3A_69 = arith.cmpi ne, %convert_element_type3A_67, %cond3A_68 : i32
      scf.if %cond3A_69 {
      } else {
      }
      %add3A_70 = arith.constant 1 : i32
      %add3A_71 = arith.addi %mul3A_65, %add3A_70 : i32
      %mul3A_72 = arith.constant 80 : i32
      %mul3A_73 = arith.muli %add3A_71, %mul3A_72 : i32
      %add3A_74 = arith.addi %mul3A_8, %mul3A_73 : i32
      %multiple_of3A_75 = tpu.assume_multiple %add3A_74, 8 : i32
      %dma_start3A_76 = arith.constant 1 : i32
      %dma_start3A_77 = arith.constant 0 : i32
      %dma_start3A_78 = tpu.memref_slice %arg9[%dma_start3A_76, %dma_start3A_77] : memref<2x80xi32, #tpu.memory_space<vmem>> -> memref<1x80xi32, #tpu.memory_space<vmem>>
      %dma_start3A_79 = tpu.memref_squeeze %dma_start3A_78 : memref<1x80xi32, #tpu.memory_space<vmem>> -> memref<80xi32, #tpu.memory_space<vmem>>
      %dma_start3A_80 = tpu.memref_slice %arg5[%multiple_of3A_75] : memref<320000xi32, #tpu.memory_space<hbm>> -> memref<80xi32, #tpu.memory_space<hbm>>
      %dma_start3A_81 = arith.constant 0 : i32
      %dma_start3A_82 = tpu.memref_slice %arg9[%dma_start3A_76, %dma_start3A_81] : memref<2x80xi32, #tpu.memory_space<vmem>> -> memref<1x80xi32, #tpu.memory_space<vmem>>
      %dma_start3A_83 = tpu.memref_squeeze %dma_start3A_82 : memref<1x80xi32, #tpu.memory_space<vmem>> -> memref<80xi32, #tpu.memory_space<vmem>>
      %dma_start3A_84 = tpu.memref_slice %arg5[%multiple_of3A_75] : memref<320000xi32, #tpu.memory_space<hbm>> -> memref<80xi32, #tpu.memory_space<hbm>>
      tpu.enqueue_dma source(%dma_start3A_84 : memref<80xi32, #tpu.memory_space<hbm>>) target(%dma_start3A_83 : memref<80xi32, #tpu.memory_space<vmem>>) target_semaphore(%arg14 : memref<!tpu.dma_semaphore, #tpu.memory_space<semaphore_mem>>)
      %dma_start3A_85 = arith.constant 1 : i32
      %dma_start3A_86 = arith.constant 0 : i32
      %dma_start3A_87 = tpu.memref_slice %arg8[%dma_start3A_85, %dma_start3A_86] : memref<2x80xi32, #tpu.memory_space<vmem>> -> memref<1x80xi32, #tpu.memory_space<vmem>>
      %dma_start3A_88 = tpu.memref_squeeze %dma_start3A_87 : memref<1x80xi32, #tpu.memory_space<vmem>> -> memref<80xi32, #tpu.memory_space<vmem>>
      %dma_start3A_89 = tpu.memref_slice %arg4[%multiple_of3A_75] : memref<320000xi32, #tpu.memory_space<hbm>> -> memref<80xi32, #tpu.memory_space<hbm>>
      %dma_start3A_90 = arith.constant 0 : i32
      %dma_start3A_91 = tpu.memref_slice %arg8[%dma_start3A_85, %dma_start3A_90] : memref<2x80xi32, #tpu.memory_space<vmem>> -> memref<1x80xi32, #tpu.memory_space<vmem>>
      %dma_start3A_92 = tpu.memref_squeeze %dma_start3A_91 : memref<1x80xi32, #tpu.memory_space<vmem>> -> memref<80xi32, #tpu.memory_space<vmem>>
      %dma_start3A_93 = tpu.memref_slice %arg4[%multiple_of3A_75] : memref<320000xi32, #tpu.memory_space<hbm>> -> memref<80xi32, #tpu.memory_space<hbm>>
      tpu.enqueue_dma source(%dma_start3A_93 : memref<80xi32, #tpu.memory_space<hbm>>) target(%dma_start3A_92 : memref<80xi32, #tpu.memory_space<vmem>>) target_semaphore(%arg22 : memref<!tpu.dma_semaphore, #tpu.memory_space<semaphore_mem>>)
      %dma_wait3A_94 = arith.constant 1 : i32
      %dma_wait3A_95 = arith.constant 0 : i32
      %dma_wait3A_96 = tpu.memref_slice %arg8[%dma_wait3A_94, %dma_wait3A_95] : memref<2x80xi32, #tpu.memory_space<vmem>> -> memref<1x80xi32, #tpu.memory_space<vmem>>
      %dma_wait3A_97 = tpu.memref_squeeze %dma_wait3A_96 : memref<1x80xi32, #tpu.memory_space<vmem>> -> memref<80xi32, #tpu.memory_space<vmem>>
      %dma_wait3A_98 = tpu.memref_slice %arg4[%multiple_of3A_75] : memref<320000xi32, #tpu.memory_space<hbm>> -> memref<80xi32, #tpu.memory_space<hbm>>
      %dma_wait3A_99 = arith.constant 0 : i32
      %dma_wait3A_100 = tpu.memref_slice %arg8[%dma_wait3A_94, %dma_wait3A_99] : memref<2x80xi32, #tpu.memory_space<vmem>> -> memref<1x80xi32, #tpu.memory_space<vmem>>
      %dma_wait3A_101 = tpu.memref_squeeze %dma_wait3A_100 : memref<1x80xi32, #tpu.memory_space<vmem>> -> memref<80xi32, #tpu.memory_space<vmem>>
      %dma_wait3A_102 = tpu.memref_slice %arg4[%multiple_of3A_75] : memref<320000xi32, #tpu.memory_space<hbm>> -> memref<80xi32, #tpu.memory_space<hbm>>
      tpu.wait_dma2 semaphore(%arg22 : memref<!tpu.dma_semaphore, #tpu.memory_space<semaphore_mem>>) src(%dma_wait3A_102 : memref<80xi32, #tpu.memory_space<hbm>>) dst(%dma_wait3A_101 : memref<80xi32, #tpu.memory_space<vmem>>)
      %dma_wait3A_103 = arith.constant 0 : i32
      %dma_wait3A_104 = arith.constant 0 : i32
      %dma_wait3A_105 = tpu.memref_slice %arg9[%dma_wait3A_103, %dma_wait3A_104] : memref<2x80xi32, #tpu.memory_space<vmem>> -> memref<1x80xi32, #tpu.memory_space<vmem>>
      %dma_wait3A_106 = tpu.memref_squeeze %dma_wait3A_105 : memref<1x80xi32, #tpu.memory_space<vmem>> -> memref<80xi32, #tpu.memory_space<vmem>>
      %dma_wait3A_107 = arith.constant 0 : i32
      %dma_wait3A_108 = tpu.memref_slice %arg5[%dma_wait3A_107] : memref<320000xi32, #tpu.memory_space<hbm>> -> memref<80xi32, #tpu.memory_space<hbm>>
      %dma_wait3A_109 = arith.constant 0 : i32
      %dma_wait3A_110 = tpu.memref_slice %arg9[%dma_wait3A_103, %dma_wait3A_109] : memref<2x80xi32, #tpu.memory_space<vmem>> -> memref<1x80xi32, #tpu.memory_space<vmem>>
      %dma_wait3A_111 = tpu.memref_squeeze %dma_wait3A_110 : memref<1x80xi32, #tpu.memory_space<vmem>> -> memref<80xi32, #tpu.memory_space<vmem>>
      %dma_wait3A_112 = arith.constant 0 : i32
      %dma_wait3A_113 = tpu.memref_slice %arg5[%dma_wait3A_112] : memref<320000xi32, #tpu.memory_space<hbm>> -> memref<80xi32, #tpu.memory_space<hbm>>
      tpu.wait_dma2 semaphore(%arg13 : memref<!tpu.dma_semaphore, #tpu.memory_space<semaphore_mem>>) src(%dma_wait3A_113 : memref<80xi32, #tpu.memory_space<hbm>>) dst(%dma_wait3A_111 : memref<80xi32, #tpu.memory_space<vmem>>)
      %add3A_114 = arith.constant 2 : i32
      %add3A_115 = arith.addi %mul3A_65, %add3A_114 : i32
      %mul3A_116 = arith.constant 80 : i32
      %mul3A_117 = arith.muli %add3A_115, %mul3A_116 : i32
      %add3A_118 = arith.addi %mul3A_8, %mul3A_117 : i32
      %multiple_of3A_119 = tpu.assume_multiple %add3A_118, 8 : i32
      %dma_start3A_120 = arith.constant 0 : i32
      %dma_start3A_121 = arith.constant 0 : i32
      %dma_start3A_122 = tpu.memref_slice %arg9[%dma_start3A_120, %dma_start3A_121] : memref<2x80xi32, #tpu.memory_space<vmem>> -> memref<1x80xi32, #tpu.memory_space<vmem>>
      %dma_start3A_123 = tpu.memref_squeeze %dma_start3A_122 : memref<1x80xi32, #tpu.memory_space<vmem>> -> memref<80xi32, #tpu.memory_space<vmem>>
      %dma_start3A_124 = tpu.memref_slice %arg5[%multiple_of3A_119] : memref<320000xi32, #tpu.memory_space<hbm>> -> memref<80xi32, #tpu.memory_space<hbm>>
      %dma_start3A_125 = arith.constant 0 : i32
      %dma_start3A_126 = tpu.memref_slice %arg9[%dma_start3A_120, %dma_start3A_125] : memref<2x80xi32, #tpu.memory_space<vmem>> -> memref<1x80xi32, #tpu.memory_space<vmem>>
      %dma_start3A_127 = tpu.memref_squeeze %dma_start3A_126 : memref<1x80xi32, #tpu.memory_space<vmem>> -> memref<80xi32, #tpu.memory_space<vmem>>
      %dma_start3A_128 = tpu.memref_slice %arg5[%multiple_of3A_119] : memref<320000xi32, #tpu.memory_space<hbm>> -> memref<80xi32, #tpu.memory_space<hbm>>
      tpu.enqueue_dma source(%dma_start3A_128 : memref<80xi32, #tpu.memory_space<hbm>>) target(%dma_start3A_127 : memref<80xi32, #tpu.memory_space<vmem>>) target_semaphore(%arg13 : memref<!tpu.dma_semaphore, #tpu.memory_space<semaphore_mem>>)
      %dma_start3A_129 = arith.constant 0 : i32
      %dma_start3A_130 = arith.constant 0 : i32
      %dma_start3A_131 = tpu.memref_slice %arg8[%dma_start3A_129, %dma_start3A_130] : memref<2x80xi32, #tpu.memory_space<vmem>> -> memref<1x80xi32, #tpu.memory_space<vmem>>
      %dma_start3A_132 = tpu.memref_squeeze %dma_start3A_131 : memref<1x80xi32, #tpu.memory_space<vmem>> -> memref<80xi32, #tpu.memory_space<vmem>>
      %dma_start3A_133 = tpu.memref_slice %arg4[%multiple_of3A_119] : memref<320000xi32, #tpu.memory_space<hbm>> -> memref<80xi32, #tpu.memory_space<hbm>>
      %dma_start3A_134 = arith.constant 0 : i32
      %dma_start3A_135 = tpu.memref_slice %arg8[%dma_start3A_129, %dma_start3A_134] : memref<2x80xi32, #tpu.memory_space<vmem>> -> memref<1x80xi32, #tpu.memory_space<vmem>>
      %dma_start3A_136 = tpu.memref_squeeze %dma_start3A_135 : memref<1x80xi32, #tpu.memory_space<vmem>> -> memref<80xi32, #tpu.memory_space<vmem>>
      %dma_start3A_137 = tpu.memref_slice %arg4[%multiple_of3A_119] : memref<320000xi32, #tpu.memory_space<hbm>> -> memref<80xi32, #tpu.memory_space<hbm>>
      tpu.enqueue_dma source(%dma_start3A_137 : memref<80xi32, #tpu.memory_space<hbm>>) target(%dma_start3A_136 : memref<80xi32, #tpu.memory_space<vmem>>) target_semaphore(%arg21 : memref<!tpu.dma_semaphore, #tpu.memory_space<semaphore_mem>>)
      %dma_wait3A_138 = arith.constant 0 : i32
      %dma_wait3A_139 = arith.constant 0 : i32
      %dma_wait3A_140 = tpu.memref_slice %arg8[%dma_wait3A_138, %dma_wait3A_139] : memref<2x80xi32, #tpu.memory_space<vmem>> -> memref<1x80xi32, #tpu.memory_space<vmem>>
      %dma_wait3A_141 = tpu.memref_squeeze %dma_wait3A_140 : memref<1x80xi32, #tpu.memory_space<vmem>> -> memref<80xi32, #tpu.memory_space<vmem>>
      %dma_wait3A_142 = tpu.memref_slice %arg4[%multiple_of3A_119] : memref<320000xi32, #tpu.memory_space<hbm>> -> memref<80xi32, #tpu.memory_space<hbm>>
      %dma_wait3A_143 = arith.constant 0 : i32
      %dma_wait3A_144 = tpu.memref_slice %arg8[%dma_wait3A_138, %dma_wait3A_143] : memref<2x80xi32, #tpu.memory_space<vmem>> -> memref<1x80xi32, #tpu.memory_space<vmem>>
      %dma_wait3A_145 = tpu.memref_squeeze %dma_wait3A_144 : memref<1x80xi32, #tpu.memory_space<vmem>> -> memref<80xi32, #tpu.memory_space<vmem>>
      %dma_wait3A_146 = tpu.memref_slice %arg4[%multiple_of3A_119] : memref<320000xi32, #tpu.memory_space<hbm>> -> memref<80xi32, #tpu.memory_space<hbm>>
      tpu.wait_dma2 semaphore(%arg21 : memref<!tpu.dma_semaphore, #tpu.memory_space<semaphore_mem>>) src(%dma_wait3A_146 : memref<80xi32, #tpu.memory_space<hbm>>) dst(%dma_wait3A_145 : memref<80xi32, #tpu.memory_space<vmem>>)
      %dma_wait3A_147 = arith.constant 1 : i32
      %dma_wait3A_148 = arith.constant 0 : i32
      %dma_wait3A_149 = tpu.memref_slice %arg9[%dma_wait3A_147, %dma_wait3A_148] : memref<2x80xi32, #tpu.memory_space<vmem>> -> memref<1x80xi32, #tpu.memory_space<vmem>>
      %dma_wait3A_150 = tpu.memref_squeeze %dma_wait3A_149 : memref<1x80xi32, #tpu.memory_space<vmem>> -> memref<80xi32, #tpu.memory_space<vmem>>
      %dma_wait3A_151 = arith.constant 0 : i32
      %dma_wait3A_152 = tpu.memref_slice %arg5[%dma_wait3A_151] : memref<320000xi32, #tpu.memory_space<hbm>> -> memref<80xi32, #tpu.memory_space<hbm>>
      %dma_wait3A_153 = arith.constant 0 : i32
      %dma_wait3A_154 = tpu.memref_slice %arg9[%dma_wait3A_147, %dma_wait3A_153] : memref<2x80xi32, #tpu.memory_space<vmem>> -> memref<1x80xi32, #tpu.memory_space<vmem>>
      %dma_wait3A_155 = tpu.memref_squeeze %dma_wait3A_154 : memref<1x80xi32, #tpu.memory_space<vmem>> -> memref<80xi32, #tpu.memory_space<vmem>>
      %dma_wait3A_156 = arith.constant 0 : i32
      %dma_wait3A_157 = tpu.memref_slice %arg5[%dma_wait3A_156] : memref<320000xi32, #tpu.memory_space<hbm>> -> memref<80xi32, #tpu.memory_space<hbm>>
      tpu.wait_dma2 semaphore(%arg14 : memref<!tpu.dma_semaphore, #tpu.memory_space<semaphore_mem>>) src(%dma_wait3A_157 : memref<80xi32, #tpu.memory_space<hbm>>) dst(%dma_wait3A_155 : memref<80xi32, #tpu.memory_space<vmem>>)
    }
    %scan3A_40 = arith.constant 62 : i32
    %dma_wait3A_41 = arith.constant 0 : i32
    %dma_wait3A_42 = arith.constant 0 : i32
    %dma_wait3A_43 = tpu.memref_slice %arg9[%dma_wait3A_41, %dma_wait3A_42] : memref<2x80xi32, #tpu.memory_space<vmem>> -> memref<1x80xi32, #tpu.memory_space<vmem>>
    %dma_wait3A_44 = tpu.memref_squeeze %dma_wait3A_43 : memref<1x80xi32, #tpu.memory_space<vmem>> -> memref<80xi32, #tpu.memory_space<vmem>>
    %dma_wait3A_45 = arith.constant 0 : i32
    %dma_wait3A_46 = tpu.memref_slice %arg5[%dma_wait3A_45] : memref<320000xi32, #tpu.memory_space<hbm>> -> memref<80xi32, #tpu.memory_space<hbm>>
    %dma_wait3A_47 = arith.constant 0 : i32
    %dma_wait3A_48 = tpu.memref_slice %arg9[%dma_wait3A_41, %dma_wait3A_47] : memref<2x80xi32, #tpu.memory_space<vmem>> -> memref<1x80xi32, #tpu.memory_space<vmem>>
    %dma_wait3A_49 = tpu.memref_squeeze %dma_wait3A_48 : memref<1x80xi32, #tpu.memory_space<vmem>> -> memref<80xi32, #tpu.memory_space<vmem>>
    %dma_wait3A_50 = arith.constant 0 : i32
    %dma_wait3A_51 = tpu.memref_slice %arg5[%dma_wait3A_50] : memref<320000xi32, #tpu.memory_space<hbm>> -> memref<80xi32, #tpu.memory_space<hbm>>
    tpu.wait_dma2 semaphore(%arg13 : memref<!tpu.dma_semaphore, #tpu.memory_space<semaphore_mem>>) src(%dma_wait3A_51 : memref<80xi32, #tpu.memory_space<hbm>>) dst(%dma_wait3A_49 : memref<80xi32, #tpu.memory_space<vmem>>)
    %barrier3A_52 = arith.constant 0 : index
    tpu.barrier barrier_id(%barrier3A_52)
    %lt3A_53 = arith.constant 15 : i32
    %lt3A_54 = arith.cmpi slt, %arg1, %lt3A_53 : i32
    %convert_element_type3A_55 = arith.extui %lt3A_54 : i1 to i32
    %cond3A_56 = arith.constant 0 : i32
    %cond3A_57 = arith.cmpi ne, %convert_element_type3A_55, %cond3A_56 : i32
    scf.if %cond3A_57 {
      %mul3A_63 = arith.constant 624 : i32
      %mul3A_64 = arith.muli %arg1, %mul3A_63 : i32
      %mul3A_65 = arith.constant 624 : i32
      %mul3A_66 = arith.muli %arg1, %mul3A_65 : i32
      "tpu.region"() ({
        %run_scoped3A = tpu.sem_alloc : memref<!tpu.dma_semaphore, #tpu.memory_space<semaphore_mem>>
        %dma_start3A_67 = arith.constant 0 : i32
        %dma_start3A_68 = tpu.memref_slice %arg7[%arg0, %mul3A_66, %dma_start3A_67] : memref<2x10000x128xf32, #tpu.memory_space<hbm>> -> memref<1x624x128xf32, #tpu.memory_space<hbm>>
        %dma_start3A_69 = tpu.memref_squeeze %dma_start3A_68 : memref<1x624x128xf32, #tpu.memory_space<hbm>> -> memref<624x128xf32, #tpu.memory_space<hbm>>
        %dma_start3A_70 = arith.constant 0 : i32
        %dma_start3A_71 = tpu.memref_slice %arg12[%mul3A_64, %dma_start3A_70] : memref<10000x128xf32, #tpu.memory_space<vmem_shared>> -> memref<624x128xf32, #tpu.memory_space<vmem_shared>>
        tpu.enqueue_dma source(%dma_start3A_71 : memref<624x128xf32, #tpu.memory_space<vmem_shared>>) target(%dma_start3A_69 : memref<624x128xf32, #tpu.memory_space<hbm>>) target_semaphore(%run_scoped3A : memref<!tpu.dma_semaphore, #tpu.memory_space<semaphore_mem>>)
        %dma_wait3A_72 = arith.constant 0 : i32
        %dma_wait3A_73 = tpu.memref_slice %arg7[%arg0, %mul3A_66, %dma_wait3A_72] : memref<2x10000x128xf32, #tpu.memory_space<hbm>> -> memref<1x624x128xf32, #tpu.memory_space<hbm>>
        %dma_wait3A_74 = tpu.memref_squeeze %dma_wait3A_73 : memref<1x624x128xf32, #tpu.memory_space<hbm>> -> memref<624x128xf32, #tpu.memory_space<hbm>>
        %dma_wait3A_75 = arith.constant 0 : i32
        %dma_wait3A_76 = tpu.memref_slice %arg12[%mul3A_64, %dma_wait3A_75] : memref<10000x128xf32, #tpu.memory_space<vmem_shared>> -> memref<624x128xf32, #tpu.memory_space<vmem_shared>>
        tpu.wait_dma2 semaphore(%run_scoped3A : memref<!tpu.dma_semaphore, #tpu.memory_space<semaphore_mem>>) src(%dma_wait3A_76 : memref<624x128xf32, #tpu.memory_space<vmem_shared>>) dst(%dma_wait3A_74 : memref<624x128xf32, #tpu.memory_space<hbm>>)
        tpu.yield
      }) : () -> ()
    } else {
    }
    %eq3A_58 = arith.constant 15 : i32
    %eq3A_59 = arith.cmpi eq, %arg1, %eq3A_58 : i32
    %convert_element_type3A_60 = arith.extui %eq3A_59 : i1 to i32
    %cond3A_61 = arith.constant 0 : i32
    %cond3A_62 = arith.cmpi ne, %convert_element_type3A_60, %cond3A_61 : i32
    scf.if %cond3A_62 {
      "tpu.region"() ({
        %run_scoped3A = tpu.sem_alloc : memref<!tpu.dma_semaphore, #tpu.memory_space<semaphore_mem>>
        %dma_start3A_63 = arith.constant 9360 : i32
        %dma_start3A_64 = arith.constant 0 : i32
        %dma_start3A_65 = tpu.memref_slice %arg7[%arg0, %dma_start3A_63, %dma_start3A_64] : memref<2x10000x128xf32, #tpu.memory_space<hbm>> -> memref<1x640x128xf32, #tpu.memory_space<hbm>>
        %dma_start3A_66 = tpu.memref_squeeze %dma_start3A_65 : memref<1x640x128xf32, #tpu.memory_space<hbm>> -> memref<640x128xf32, #tpu.memory_space<hbm>>
        %dma_start3A_67 = arith.constant 9360 : i32
        %dma_start3A_68 = arith.constant 0 : i32
        %dma_start3A_69 = tpu.memref_slice %arg12[%dma_start3A_67, %dma_start3A_68] : memref<10000x128xf32, #tpu.memory_space<vmem_shared>> -> memref<640x128xf32, #tpu.memory_space<vmem_shared>>
        tpu.enqueue_dma source(%dma_start3A_69 : memref<640x128xf32, #tpu.memory_space<vmem_shared>>) target(%dma_start3A_66 : memref<640x128xf32, #tpu.memory_space<hbm>>) target_semaphore(%run_scoped3A : memref<!tpu.dma_semaphore, #tpu.memory_space<semaphore_mem>>)
        %dma_wait3A_70 = arith.constant 9360 : i32
        %dma_wait3A_71 = arith.constant 0 : i32
        %dma_wait3A_72 = tpu.memref_slice %arg7[%arg0, %dma_wait3A_70, %dma_wait3A_71] : memref<2x10000x128xf32, #tpu.memory_space<hbm>> -> memref<1x640x128xf32, #tpu.memory_space<hbm>>
        %dma_wait3A_73 = tpu.memref_squeeze %dma_wait3A_72 : memref<1x640x128xf32, #tpu.memory_space<hbm>> -> memref<640x128xf32, #tpu.memory_space<hbm>>
        %dma_wait3A_74 = arith.constant 9360 : i32
        %dma_wait3A_75 = arith.constant 0 : i32
        %dma_wait3A_76 = tpu.memref_slice %arg12[%dma_wait3A_74, %dma_wait3A_75] : memref<10000x128xf32, #tpu.memory_space<vmem_shared>> -> memref<640x128xf32, #tpu.memory_space<vmem_shared>>
        tpu.wait_dma2 semaphore(%run_scoped3A : memref<!tpu.dma_semaphore, #tpu.memory_space<semaphore_mem>>) src(%dma_wait3A_76 : memref<640x128xf32, #tpu.memory_space<vmem_shared>>) dst(%dma_wait3A_73 : memref<640x128xf32, #tpu.memory_space<hbm>>)
        tpu.yield
      }) : () -> ()
    } else {
    }
    return
  }
}

module attributes {stable_mosaic.version = 14 : i64} {
  func.func @_gate_body(%arg0: i32, %arg1: memref<16x6400xf32, #tpu.memory_space<vmem>>, %arg2: memref<128x16xf32, #tpu.memory_space<vmem>>, %arg3: memref<6400x64xi32, #tpu.memory_space<vmem>>) attributes {dimension_semantics = [#tpu.dimension_semantics<arbitrary>], iteration_bounds = array<i64: 50>, scalar_prefetch = 0 : i64, scratch_operands = 0 : i64, tpu.core_type = #tpu.core_type<tc>, window_params = [{transform_indices = @transform_0, window_bounds = array<i64: 16, 6400>}, {pipeline_mode = #tpu.pipeline_mode<synchronous>, transform_indices = @transform_1, window_bounds = array<i64: 128, 16>}, {transform_indices = @transform_2, window_bounds = array<i64: 6400, 64>}]} {
    %get3A = arith.constant 0 : index
    %get3A_0 = arith.constant 0 : index
    %get3A_1 = vector.load %arg1[%get3A, %get3A_0] : memref<16x6400xf32, #tpu.memory_space<vmem>>, vector<16x6400xf32>
    %get3A_2 = arith.constant 0 : index
    %get3A_3 = arith.constant 0 : index
    %get3A_4 = vector.load %arg2[%get3A_2, %get3A_3] : memref<128x16xf32, #tpu.memory_space<vmem>>, vector<128x16xf32>
    %dot_general3A = arith.constant dense<0.000000e+00> : vector<6400x128xf32>
    %dot_general3A_5 = tpu.matmul %get3A_1, %get3A_4, %dot_general3A {dimension_numbers = #tpu.dot_dimension_numbers<[0], [1], [1], [0], [0, 1, 1, 0], [], []>, transpose_lhs_hint = false} : vector<16x6400xf32>, vector<128x16xf32>, vector<6400x128xf32> -> vector<6400x128xf32>
    %convert_element_type3A = arith.truncf %dot_general3A_5 : vector<6400x128xf32> to vector<6400x128xbf16>
    %bitcast_convert_type3A = tpu.bitcast %convert_element_type3A : vector<6400x128xbf16> -> vector<6400x128xi16>
    %convert_element_type3A_6 = arith.extui %bitcast_convert_type3A : vector<6400x128xi16> to vector<6400x128xi32>
    %slice3A = vector.extract_strided_slice %convert_element_type3A_6 {offsets = [0, 0], sizes = [6400, 64], strides = [1, 1]} : vector<6400x128xi32> to vector<6400x64xi32>
    %slice3A_7 = vector.extract_strided_slice %convert_element_type3A_6 {offsets = [0, 64], sizes = [6400, 64], strides = [1, 1]} : vector<6400x128xi32> to vector<6400x64xi32>
    %shift_left3A = arith.constant 16 : i32
    %shift_left3A_8 = vector.broadcast %shift_left3A : i32 to vector<6400x64xi32>
    %shift_left3A_9 = arith.shli %slice3A_7, %shift_left3A_8 : vector<6400x64xi32>
    %or3A = arith.ori %slice3A, %shift_left3A_9 : vector<6400x64xi32>
    %bitcast_convert_type3A_10 = tpu.bitcast %or3A : vector<6400x64xi32> -> vector<6400x64xi32>
    %swap3A = arith.constant 0 : index
    %swap3A_11 = arith.constant 0 : index
    %swap3A_12 = vector.load %arg3[%swap3A, %swap3A_11] : memref<6400x64xi32, #tpu.memory_space<vmem>>, vector<6400x64xi32>
    tpu.vector_store %arg3[%swap3A, %swap3A_11], %bitcast_convert_type3A_10 {strides = array<i32>} : memref<6400x64xi32, #tpu.memory_space<vmem>>, vector<6400x64xi32>,
    return
  }
  func.func @transform_0(%arg0: i32) -> (i32, i32) {
    %c0_i32 = arith.constant 0 : i32
    %c0_i32_0 = arith.constant 0 : i32
    return %c0_i32, %arg0 : i32, i32
  }
  func.func @transform_1(%arg0: i32) -> (i32, i32) {
    %c0_i32 = arith.constant 0 : i32
    %c0_i32_0 = arith.constant 0 : i32
    %c0_i32_1 = arith.constant 0 : i32
    return %c0_i32, %c0_i32_0 : i32, i32
  }
  func.func @transform_2(%arg0: i32) -> (i32, i32) {
    %c0_i32 = arith.constant 0 : i32
    %c0_i32_0 = arith.constant 0 : i32
    return %arg0, %c0_i32 : i32, i32
  }
}

module attributes {stable_mosaic.version = 14 : i64} {
  func.func @_node_body(%arg0: i32, %arg1: memref<2000x128xf32, #tpu.memory_space<vmem>>, %arg2: memref<128x128xf32, #tpu.memory_space<vmem>>, %arg3: memref<1x128xf32, #tpu.memory_space<vmem>>, %arg4: memref<128x128xf32, #tpu.memory_space<vmem>>, %arg5: memref<1x128xf32, #tpu.memory_space<vmem>>, %arg6: memref<2000x128xf32, #tpu.memory_space<vmem>>, %arg7: memref<2000x128xf32, #tpu.memory_space<vmem>>) attributes {dimension_semantics = [#tpu.dimension_semantics<arbitrary>], iteration_bounds = array<i64: 5>, scalar_prefetch = 0 : i64, scratch_operands = 0 : i64, tpu.core_type = #tpu.core_type<tc>, window_params = [{transform_indices = @transform_0, window_bounds = array<i64: 2000, 128>}, {pipeline_mode = #tpu.pipeline_mode<synchronous>, transform_indices = @transform_1, window_bounds = array<i64: 128, 128>}, {pipeline_mode = #tpu.pipeline_mode<synchronous>, transform_indices = @transform_2, window_bounds = array<i64: 1, 128>}, {pipeline_mode = #tpu.pipeline_mode<synchronous>, transform_indices = @transform_3, window_bounds = array<i64: 128, 128>}, {pipeline_mode = #tpu.pipeline_mode<synchronous>, transform_indices = @transform_4, window_bounds = array<i64: 1, 128>}, {transform_indices = @transform_5, window_bounds = array<i64: 2000, 128>}, {transform_indices = @transform_6, window_bounds = array<i64: 2000, 128>}]} {
    %get3A = arith.constant 0 : index
    %get3A_0 = arith.constant 0 : index
    %get3A_1 = vector.load %arg1[%get3A, %get3A_0] : memref<2000x128xf32, #tpu.memory_space<vmem>>, vector<2000x128xf32>
    %max3A = arith.constant 0.000000e+00 : f32
    %max3A_2 = vector.broadcast %max3A : f32 to vector<2000x128xf32>
    %max3A_3 = arith.maximumf %get3A_1, %max3A_2 : vector<2000x128xf32>
    %get3A_4 = arith.constant 0 : index
    %get3A_5 = arith.constant 0 : index
    %get3A_6 = vector.load %arg2[%get3A_4, %get3A_5] : memref<128x128xf32, #tpu.memory_space<vmem>>, vector<128x128xf32>
    %dot_general3A = arith.constant dense<0.000000e+00> : vector<2000x128xf32>
    %dot_general3A_7 = tpu.matmul %max3A_3, %get3A_6, %dot_general3A {dimension_numbers = #tpu.dot_dimension_numbers<[1], [1], [0], [0], [0, 0, 1, 0], [], []>, transpose_lhs_hint = false} : vector<2000x128xf32>, vector<128x128xf32>, vector<2000x128xf32> -> vector<2000x128xf32>
    %get3A_8 = arith.constant 0 : index
    %get3A_9 = arith.constant 0 : index
    %get3A_10 = vector.load %arg3[%get3A_8, %get3A_9] : memref<1x128xf32, #tpu.memory_space<vmem>>, vector<1x128xf32>
    %add3A = vector.broadcast %get3A_10 : vector<1x128xf32> to vector<2000x128xf32>
    %add3A_11 = arith.addf %dot_general3A_7, %add3A : vector<2000x128xf32>
    %max3A_12 = arith.constant 0.000000e+00 : f32
    %max3A_13 = vector.broadcast %max3A_12 : f32 to vector<2000x128xf32>
    %max3A_14 = arith.maximumf %add3A_11, %max3A_13 : vector<2000x128xf32>
    %swap3A = arith.constant 0 : index
    %swap3A_15 = arith.constant 0 : index
    %swap3A_16 = vector.load %arg6[%swap3A, %swap3A_15] : memref<2000x128xf32, #tpu.memory_space<vmem>>, vector<2000x128xf32>
    tpu.vector_store %arg6[%swap3A, %swap3A_15], %max3A_14 {strides = array<i32>} : memref<2000x128xf32, #tpu.memory_space<vmem>>, vector<2000x128xf32>,
    %get3A_17 = arith.constant 0 : index
    %get3A_18 = arith.constant 0 : index
    %get3A_19 = vector.load %arg4[%get3A_17, %get3A_18] : memref<128x128xf32, #tpu.memory_space<vmem>>, vector<128x128xf32>
    %dot_general3A_20 = arith.constant dense<0.000000e+00> : vector<2000x128xf32>
    %dot_general3A_21 = tpu.matmul %max3A_3, %get3A_19, %dot_general3A_20 {dimension_numbers = #tpu.dot_dimension_numbers<[1], [1], [0], [0], [0, 0, 1, 0], [], []>, transpose_lhs_hint = false} : vector<2000x128xf32>, vector<128x128xf32>, vector<2000x128xf32> -> vector<2000x128xf32>
    %get3A_22 = arith.constant 0 : index
    %get3A_23 = arith.constant 0 : index
    %get3A_24 = vector.load %arg5[%get3A_22, %get3A_23] : memref<1x128xf32, #tpu.memory_space<vmem>>, vector<1x128xf32>
    %add3A_25 = vector.broadcast %get3A_24 : vector<1x128xf32> to vector<2000x128xf32>
    %add3A_26 = arith.addf %dot_general3A_21, %add3A_25 : vector<2000x128xf32>
    %max3A_27 = arith.constant 0.000000e+00 : f32
    %max3A_28 = vector.broadcast %max3A_27 : f32 to vector<2000x128xf32>
    %max3A_29 = arith.maximumf %add3A_26, %max3A_28 : vector<2000x128xf32>
    %swap3A_30 = arith.constant 0 : index
    %swap3A_31 = arith.constant 0 : index
    %swap3A_32 = vector.load %arg7[%swap3A_30, %swap3A_31] : memref<2000x128xf32, #tpu.memory_space<vmem>>, vector<2000x128xf32>
    tpu.vector_store %arg7[%swap3A_30, %swap3A_31], %max3A_29 {strides = array<i32>} : memref<2000x128xf32, #tpu.memory_space<vmem>>, vector<2000x128xf32>,
    return
  }
  func.func @transform_0(%arg0: i32) -> (i32, i32) {
    %c0_i32 = arith.constant 0 : i32
    %c0_i32_0 = arith.constant 0 : i32
    return %arg0, %c0_i32 : i32, i32
  }
  func.func @transform_1(%arg0: i32) -> (i32, i32) {
    %c0_i32 = arith.constant 0 : i32
    %c0_i32_0 = arith.constant 0 : i32
    %c0_i32_1 = arith.constant 0 : i32
    return %c0_i32, %c0_i32_0 : i32, i32
  }
  func.func @transform_2(%arg0: i32) -> (i32, i32) {
    %c0_i32 = arith.constant 0 : i32
    %c0_i32_0 = arith.constant 0 : i32
    %c0_i32_1 = arith.constant 0 : i32
    return %c0_i32, %c0_i32_0 : i32, i32
  }
  func.func @transform_3(%arg0: i32) -> (i32, i32) {
    %c0_i32 = arith.constant 0 : i32
    %c0_i32_0 = arith.constant 0 : i32
    %c0_i32_1 = arith.constant 0 : i32
    return %c0_i32, %c0_i32_0 : i32, i32
  }
  func.func @transform_4(%arg0: i32) -> (i32, i32) {
    %c0_i32 = arith.constant 0 : i32
    %c0_i32_0 = arith.constant 0 : i32
    %c0_i32_1 = arith.constant 0 : i32
    return %c0_i32, %c0_i32_0 : i32, i32
  }
  func.func @transform_5(%arg0: i32) -> (i32, i32) {
    %c0_i32 = arith.constant 0 : i32
    %c0_i32_0 = arith.constant 0 : i32
    return %arg0, %c0_i32 : i32, i32
  }
  func.func @transform_6(%arg0: i32) -> (i32, i32) {
    %c0_i32 = arith.constant 0 : i32
    %c0_i32_0 = arith.constant 0 : i32
    return %arg0, %c0_i32 : i32, i32
  }
}

module attributes {stable_mosaic.version = 14 : i64} {
  func.func @_tail_body(%arg0: i32, %arg1: memref<2000x128xf32, #tpu.memory_space<vmem>>, %arg2: memref<2000x128xf32, #tpu.memory_space<vmem>>, %arg3: memref<2x2000x128xf32, #tpu.memory_space<vmem>>, %arg4: memref<1x128xf32, #tpu.memory_space<vmem>>, %arg5: memref<2x128x128xf32, #tpu.memory_space<vmem>>, %arg6: memref<2x128xf32, #tpu.memory_space<vmem>>, %arg7: memref<2x128x128xf32, #tpu.memory_space<vmem>>, %arg8: memref<2x128xf32, #tpu.memory_space<vmem>>, %arg9: memref<128x128xf32, #tpu.memory_space<vmem>>, %arg10: memref<1x128xf32, #tpu.memory_space<vmem>>, %arg11: memref<2000x128xf32, #tpu.memory_space<vmem>>, %arg12: memref<2000x128xf32, #tpu.memory_space<vmem>>) attributes {dimension_semantics = [#tpu.dimension_semantics<arbitrary>], iteration_bounds = array<i64: 5>, scalar_prefetch = 0 : i64, scratch_operands = 0 : i64, tpu.core_type = #tpu.core_type<tc>, window_params = [{transform_indices = @transform_0, window_bounds = array<i64: 2000, 128>}, {transform_indices = @transform_1, window_bounds = array<i64: 2000, 128>}, {transform_indices = @transform_2, window_bounds = array<i64: 2, 2000, 128>}, {pipeline_mode = #tpu.pipeline_mode<synchronous>, transform_indices = @transform_3, window_bounds = array<i64: 1, 128>}, {pipeline_mode = #tpu.pipeline_mode<synchronous>, transform_indices = @transform_4, window_bounds = array<i64: 2, 128, 128>}, {pipeline_mode = #tpu.pipeline_mode<synchronous>, transform_indices = @transform_5, window_bounds = array<i64: 2, 128>}, {pipeline_mode = #tpu.pipeline_mode<synchronous>, transform_indices = @transform_6, window_bounds = array<i64: 2, 128, 128>}, {pipeline_mode = #tpu.pipeline_mode<synchronous>, transform_indices = @transform_7, window_bounds = array<i64: 2, 128>}, {pipeline_mode = #tpu.pipeline_mode<synchronous>, transform_indices = @transform_8, window_bounds = array<i64: 128, 128>}, {pipeline_mode = #tpu.pipeline_mode<synchronous>, transform_indices = @transform_9, window_bounds = array<i64: 1, 128>}, {transform_indices = @transform_10, window_bounds = array<i64: 2000, 128>}, {transform_indices = @transform_11, window_bounds = array<i64: 2000, 128>}]} {
    %get3A = arith.constant 0 : index
    %get3A_0 = arith.constant 0 : index
    %get3A_1 = vector.load %arg2[%get3A, %get3A_0] : memref<2000x128xf32, #tpu.memory_space<vmem>>, vector<2000x128xf32>
    %get3A_2 = arith.constant 0 : index
    %get3A_3 = arith.constant 0 : index
    %get3A_4 = arith.constant 0 : index
    %get3A_5 = vector.load %arg3[%get3A_2, %get3A_3, %get3A_4] : memref<2x2000x128xf32, #tpu.memory_space<vmem>>, vector<1x2000x128xf32>
    %get3A_6 = vector.shape_cast %get3A_5 : vector<1x2000x128xf32> to vector<2000x128xf32>
    %add3A = arith.addf %get3A_1, %get3A_6 : vector<2000x128xf32>
    %get3A_7 = arith.constant 1 : index
    %get3A_8 = arith.constant 0 : index
    %get3A_9 = arith.constant 0 : index
    %get3A_10 = vector.load %arg3[%get3A_7, %get3A_8, %get3A_9] : memref<2x2000x128xf32, #tpu.memory_space<vmem>>, vector<1x2000x128xf32>
    %get3A_11 = vector.shape_cast %get3A_10 : vector<1x2000x128xf32> to vector<2000x128xf32>
    %add3A_12 = arith.addf %add3A, %get3A_11 : vector<2000x128xf32>
    %swap3A = arith.constant 0 : index
    %swap3A_13 = arith.constant 0 : index
    %swap3A_14 = vector.load %arg12[%swap3A, %swap3A_13] : memref<2000x128xf32, #tpu.memory_space<vmem>>, vector<2000x128xf32>
    tpu.vector_store %arg12[%swap3A, %swap3A_13], %add3A_12 {strides = array<i32>} : memref<2000x128xf32, #tpu.memory_space<vmem>>, vector<2000x128xf32>,
    %max3A = arith.constant 0.000000e+00 : f32
    %max3A_15 = vector.broadcast %max3A : f32 to vector<2000x128xf32>
    %max3A_16 = arith.maximumf %add3A_12, %max3A_15 : vector<2000x128xf32>
    %get3A_17 = arith.constant 0 : index
    %get3A_18 = arith.constant 0 : index
    %get3A_19 = arith.constant 0 : index
    %get3A_20 = vector.load %arg5[%get3A_17, %get3A_18, %get3A_19] : memref<2x128x128xf32, #tpu.memory_space<vmem>>, vector<1x128x128xf32>
    %get3A_21 = vector.shape_cast %get3A_20 : vector<1x128x128xf32> to vector<128x128xf32>
    %dot_general3A = arith.constant dense<0.000000e+00> : vector<2000x128xf32>
    %dot_general3A_22 = tpu.matmul %max3A_16, %get3A_21, %dot_general3A {dimension_numbers = #tpu.dot_dimension_numbers<[1], [1], [0], [0], [0, 0, 1, 0], [], []>, transpose_lhs_hint = false} : vector<2000x128xf32>, vector<128x128xf32>, vector<2000x128xf32> -> vector<2000x128xf32>
    %get3A_23 = arith.constant 0 : index
    %get3A_24 = arith.constant 0 : index
    %get3A_25 = vector.load %arg6[%get3A_23, %get3A_24] : memref<2x128xf32, #tpu.memory_space<vmem>>, vector<1x128xf32>
    %get3A_26 = vector.shape_cast %get3A_25 : vector<1x128xf32> to vector<128xf32>
    %broadcast_in_dim3A = vector.shape_cast %get3A_26 : vector<128xf32> to vector<1x128xf32>
    %add3A_27 = vector.broadcast %broadcast_in_dim3A : vector<1x128xf32> to vector<2000x128xf32>
    %add3A_28 = arith.addf %dot_general3A_22, %add3A_27 : vector<2000x128xf32>
    %max3A_29 = arith.constant 0.000000e+00 : f32
    %max3A_30 = vector.broadcast %max3A_29 : f32 to vector<2000x128xf32>
    %max3A_31 = arith.maximumf %add3A_28, %max3A_30 : vector<2000x128xf32>
    %get3A_32 = arith.constant 0 : index
    %get3A_33 = arith.constant 0 : index
    %get3A_34 = arith.constant 0 : index
    %get3A_35 = vector.load %arg7[%get3A_32, %get3A_33, %get3A_34] : memref<2x128x128xf32, #tpu.memory_space<vmem>>, vector<1x128x128xf32>
    %get3A_36 = vector.shape_cast %get3A_35 : vector<1x128x128xf32> to vector<128x128xf32>
    %dot_general3A_37 = arith.constant dense<0.000000e+00> : vector<2000x128xf32>
    %dot_general3A_38 = tpu.matmul %max3A_31, %get3A_36, %dot_general3A_37 {dimension_numbers = #tpu.dot_dimension_numbers<[1], [1], [0], [0], [0, 0, 1, 0], [], []>, transpose_lhs_hint = false} : vector<2000x128xf32>, vector<128x128xf32>, vector<2000x128xf32> -> vector<2000x128xf32>
    %add3A_39 = arith.addf %add3A_12, %dot_general3A_38 : vector<2000x128xf32>
    %get3A_40 = arith.constant 0 : index
    %get3A_41 = arith.constant 0 : index
    %get3A_42 = vector.load %arg8[%get3A_40, %get3A_41] : memref<2x128xf32, #tpu.memory_space<vmem>>, vector<1x128xf32>
    %get3A_43 = vector.shape_cast %get3A_42 : vector<1x128xf32> to vector<128xf32>
    %broadcast_in_dim3A_44 = vector.shape_cast %get3A_43 : vector<128xf32> to vector<1x128xf32>
    %add3A_45 = vector.broadcast %broadcast_in_dim3A_44 : vector<1x128xf32> to vector<2000x128xf32>
    %add3A_46 = arith.addf %add3A_39, %add3A_45 : vector<2000x128xf32>
    %max3A_47 = arith.constant 0.000000e+00 : f32
    %max3A_48 = vector.broadcast %max3A_47 : f32 to vector<2000x128xf32>
    %max3A_49 = arith.maximumf %add3A_46, %max3A_48 : vector<2000x128xf32>
    %get3A_50 = arith.constant 1 : index
    %get3A_51 = arith.constant 0 : index
    %get3A_52 = arith.constant 0 : index
    %get3A_53 = vector.load %arg5[%get3A_50, %get3A_51, %get3A_52] : memref<2x128x128xf32, #tpu.memory_space<vmem>>, vector<1x128x128xf32>
    %get3A_54 = vector.shape_cast %get3A_53 : vector<1x128x128xf32> to vector<128x128xf32>
    %dot_general3A_55 = arith.constant dense<0.000000e+00> : vector<2000x128xf32>
    %dot_general3A_56 = tpu.matmul %max3A_49, %get3A_54, %dot_general3A_55 {dimension_numbers = #tpu.dot_dimension_numbers<[1], [1], [0], [0], [0, 0, 1, 0], [], []>, transpose_lhs_hint = false} : vector<2000x128xf32>, vector<128x128xf32>, vector<2000x128xf32> -> vector<2000x128xf32>
    %get3A_57 = arith.constant 1 : index
    %get3A_58 = arith.constant 0 : index
    %get3A_59 = vector.load %arg6[%get3A_57, %get3A_58] : memref<2x128xf32, #tpu.memory_space<vmem>>, vector<1x128xf32>
    %get3A_60 = vector.shape_cast %get3A_59 : vector<1x128xf32> to vector<128xf32>
    %broadcast_in_dim3A_61 = vector.shape_cast %get3A_60 : vector<128xf32> to vector<1x128xf32>
    %add3A_62 = vector.broadcast %broadcast_in_dim3A_61 : vector<1x128xf32> to vector<2000x128xf32>
    %add3A_63 = arith.addf %dot_general3A_56, %add3A_62 : vector<2000x128xf32>
    %max3A_64 = arith.constant 0.000000e+00 : f32
    %max3A_65 = vector.broadcast %max3A_64 : f32 to vector<2000x128xf32>
    %max3A_66 = arith.maximumf %add3A_63, %max3A_65 : vector<2000x128xf32>
    %get3A_67 = arith.constant 1 : index
    %get3A_68 = arith.constant 0 : index
    %get3A_69 = arith.constant 0 : index
    %get3A_70 = vector.load %arg7[%get3A_67, %get3A_68, %get3A_69] : memref<2x128x128xf32, #tpu.memory_space<vmem>>, vector<1x128x128xf32>
    %get3A_71 = vector.shape_cast %get3A_70 : vector<1x128x128xf32> to vector<128x128xf32>
    %dot_general3A_72 = arith.constant dense<0.000000e+00> : vector<2000x128xf32>
    %dot_general3A_73 = tpu.matmul %max3A_66, %get3A_71, %dot_general3A_72 {dimension_numbers = #tpu.dot_dimension_numbers<[1], [1], [0], [0], [0, 0, 1, 0], [], []>, transpose_lhs_hint = false} : vector<2000x128xf32>, vector<128x128xf32>, vector<2000x128xf32> -> vector<2000x128xf32>
    %add3A_74 = arith.addf %add3A_46, %dot_general3A_73 : vector<2000x128xf32>
    %get3A_75 = arith.constant 1 : index
    %get3A_76 = arith.constant 0 : index
    %get3A_77 = vector.load %arg8[%get3A_75, %get3A_76] : memref<2x128xf32, #tpu.memory_space<vmem>>, vector<1x128xf32>
    %get3A_78 = vector.shape_cast %get3A_77 : vector<1x128xf32> to vector<128xf32>
    %broadcast_in_dim3A_79 = vector.shape_cast %get3A_78 : vector<128xf32> to vector<1x128xf32>
    %add3A_80 = vector.broadcast %broadcast_in_dim3A_79 : vector<1x128xf32> to vector<2000x128xf32>
    %add3A_81 = arith.addf %add3A_74, %add3A_80 : vector<2000x128xf32>
    %get3A_82 = arith.constant 0 : index
    %get3A_83 = arith.constant 0 : index
    %get3A_84 = vector.load %arg9[%get3A_82, %get3A_83] : memref<128x128xf32, #tpu.memory_space<vmem>>, vector<128x128xf32>
    %dot_general3A_85 = arith.constant dense<0.000000e+00> : vector<2000x128xf32>
    %dot_general3A_86 = tpu.matmul %add3A_81, %get3A_84, %dot_general3A_85 {dimension_numbers = #tpu.dot_dimension_numbers<[1], [1], [0], [0], [0, 0, 1, 0], [], []>, transpose_lhs_hint = false} : vector<2000x128xf32>, vector<128x128xf32>, vector<2000x128xf32> -> vector<2000x128xf32>
    %get3A_87 = arith.constant 0 : index
    %get3A_88 = arith.constant 0 : index
    %get3A_89 = vector.load %arg10[%get3A_87, %get3A_88] : memref<1x128xf32, #tpu.memory_space<vmem>>, vector<1x128xf32>
    %add3A_90 = vector.broadcast %get3A_89 : vector<1x128xf32> to vector<2000x128xf32>
    %add3A_91 = arith.addf %dot_general3A_86, %add3A_90 : vector<2000x128xf32>
    %get3A_92 = arith.constant 0 : index
    %get3A_93 = arith.constant 0 : index
    %get3A_94 = vector.load %arg1[%get3A_92, %get3A_93] : memref<2000x128xf32, #tpu.memory_space<vmem>>, vector<2000x128xf32>
    %get3A_95 = arith.constant 0 : index
    %get3A_96 = arith.constant 0 : index
    %get3A_97 = vector.load %arg4[%get3A_95, %get3A_96] : memref<1x128xf32, #tpu.memory_space<vmem>>, vector<1x128xf32>
    %mul3A = vector.broadcast %get3A_97 : vector<1x128xf32> to vector<2000x128xf32>
    %mul3A_98 = arith.mulf %get3A_94, %mul3A : vector<2000x128xf32>
    %add3A_99 = arith.addf %add3A_91, %mul3A_98 : vector<2000x128xf32>
    %swap3A_100 = arith.constant 0 : index
    %swap3A_101 = arith.constant 0 : index
    %swap3A_102 = vector.load %arg11[%swap3A_100, %swap3A_101] : memref<2000x128xf32, #tpu.memory_space<vmem>>, vector<2000x128xf32>
    tpu.vector_store %arg11[%swap3A_100, %swap3A_101], %add3A_99 {strides = array<i32>} : memref<2000x128xf32, #tpu.memory_space<vmem>>, vector<2000x128xf32>,
    return
  }
  func.func @transform_0(%arg0: i32) -> (i32, i32) {
    %c0_i32 = arith.constant 0 : i32
    %c0_i32_0 = arith.constant 0 : i32
    return %arg0, %c0_i32 : i32, i32
  }
  func.func @transform_1(%arg0: i32) -> (i32, i32) {
    %c0_i32 = arith.constant 0 : i32
    %c0_i32_0 = arith.constant 0 : i32
    return %arg0, %c0_i32 : i32, i32
  }
  func.func @transform_2(%arg0: i32) -> (i32, i32, i32) {
    %c0_i32 = arith.constant 0 : i32
    %c0_i32_0 = arith.constant 0 : i32
    %c0_i32_1 = arith.constant 0 : i32
    return %c0_i32, %arg0, %c0_i32_0 : i32, i32, i32
  }
  func.func @transform_3(%arg0: i32) -> (i32, i32) {
    %c0_i32 = arith.constant 0 : i32
    %c0_i32_0 = arith.constant 0 : i32
    %c0_i32_1 = arith.constant 0 : i32
    return %c0_i32, %c0_i32_0 : i32, i32
  }
  func.func @transform_4(%arg0: i32) -> (i32, i32, i32) {
    %c0_i32 = arith.constant 0 : i32
    %c0_i32_0 = arith.constant 0 : i32
    %c0_i32_1 = arith.constant 0 : i32
    %c0_i32_2 = arith.constant 0 : i32
    return %c0_i32, %c0_i32_0, %c0_i32_1 : i32, i32, i32
  }
  func.func @transform_5(%arg0: i32) -> (i32, i32) {
    %c0_i32 = arith.constant 0 : i32
    %c0_i32_0 = arith.constant 0 : i32
    %c0_i32_1 = arith.constant 0 : i32
    return %c0_i32, %c0_i32_0 : i32, i32
  }
  func.func @transform_6(%arg0: i32) -> (i32, i32, i32) {
    %c0_i32 = arith.constant 0 : i32
    %c0_i32_0 = arith.constant 0 : i32
    %c0_i32_1 = arith.constant 0 : i32
    %c0_i32_2 = arith.constant 0 : i32
    return %c0_i32, %c0_i32_0, %c0_i32_1 : i32, i32, i32
  }
  func.func @transform_7(%arg0: i32) -> (i32, i32) {
    %c0_i32 = arith.constant 0 : i32
    %c0_i32_0 = arith.constant 0 : i32
    %c0_i32_1 = arith.constant 0 : i32
    return %c0_i32, %c0_i32_0 : i32, i32
  }
  func.func @transform_8(%arg0: i32) -> (i32, i32) {
    %c0_i32 = arith.constant 0 : i32
    %c0_i32_0 = arith.constant 0 : i32
    %c0_i32_1 = arith.constant 0 : i32
    return %c0_i32, %c0_i32_0 : i32, i32
  }
  func.func @transform_9(%arg0: i32) -> (i32, i32) {
    %c0_i32 = arith.constant 0 : i32
    %c0_i32_0 = arith.constant 0 : i32
    %c0_i32_1 = arith.constant 0 : i32
    return %c0_i32, %c0_i32_0 : i32, i32
  }
  func.func @transform_10(%arg0: i32) -> (i32, i32) {
    %c0_i32 = arith.constant 0 : i32
    %c0_i32_0 = arith.constant 0 : i32
    return %arg0, %c0_i32 : i32, i32
  }
  func.func @transform_11(%arg0: i32) -> (i32, i32) {
    %c0_i32 = arith.constant 0 : i32
    %c0_i32_0 = arith.constant 0 : i32
    return %arg0, %c0_i32 : i32, i32
  }
}

</mosaic_0001>

<sc_bundles>
// kernel: kernel.6.cloned.1.call-start
scs
__scs_entry_jumppad:
0x0: {  	(pc) =	sbr.rel $0x88, $3  }
0x1: {  	(tag) =	ssettag $0x0;
	lr =	simm.s32 $0x1  }
0x2: {  	[smem:$0x3F92] =	sst lr;
	_ =	strace $0xD0000000  }
0x3: {  	_ = 	snop  }
0x4: {  	_ = 	snop  }
0x5: {  	_ = 	snop  }
0x6: {  	_ = 	snop  }
0x7: {  	_ = 	snop  }
__scs_overlays_trampoline_lowered:
0x8: {  	[smem:$0x3FA1] =	sst s0  }
0x9: {  	[smem:$0x3FA2] =	sst s1  }
0xa: {  	[smem:$0x3FA3] =	sst s2  }
0xb: {  	[smem:$0x3FA4] =	sst s3  }
0xc: {  	[smem:$0x3FA5] =	sst s4  }
0xd: {  	[smem:$0x3FA6] =	sst s5  }
0xe: {  	[smem:$0x3FA7] =	sst s6  }
0xf: {  	[smem:$0x3FA8] =	sst s7  }
0x10: {  	[smem:$0x3FA9] =	sst s8  }
0x11: {  	[smem:$0x3FAA] =	sst s9;
	s0 =	simm.s32 @!p0 $0x0  }
0x12: {  	s1 =	sld [smem:$0x3F90];
	s0 =	simm.s32 @p0 $0x1  }
0x13: {  	[smem:$0x3FAB] =	sst s0;
	s0 =	simm.s32 @!p1 $0x0  }
0x14: {  	s2 =	sld [smem:$0x3F8F];
	s0 =	simm.s32 @p1 $0x1  }
0x15: {  	[smem:$0x3FAC] =	sst s0;
	s0 =	simm.s32 @!p2 $0x0  }
0x16: {  	s3 =	sld [smem:$0x3FDB];
	s0 =	simm.s32 @p2 $0x1  }
0x17: {  	s4 =	simm.s32 $0x1BF5;
	[smem:$0x3FAE] =	sst s0  }
0x18: {  	s0 =	sld [smem:$0x3F91];
	_ =	swait.ge [sflag:s4], $0x0  }
0x19: {  	s7 =	sld [smem:$0x3F92]  }
0x1a: {  	s8 =	sadd.s32 $0xFFFFE003, lr  }
0x1b: {  	s9 =	sadd.s32 $0xFFFFFEF7, lr;
	s5 =	simm.s32 $0xFFFFFFFF;
	p2 =	slt.u32 s8, $0xFFFFF086  }
0x1c: {  	p1 =	slt.u32 s9, $0xF7A;
	s5 =	simm.s32 @!p2 $0x0  }
0x1d: {  	s5 =	simm.s32 @p1 $0x1;
	p0 =	seq.s32 s7, s2  }
0x1e: {  	s7 =	smul.u32 @!p0 $0xF7A, s2;
	p2 =	seq.s32 @!p0 s5, $0x0  }
0x1f: {  	s9 =	smul.u32 $0xF7A, s1;
	s8 =	simm.s32 @!p0 $0x1BF5;
	p2 =	por !p2, p0  }
0x20: {  	[sflag:s8] =	ssyncset.s32 @!p0 $0xFFFFF086;
	s6 =	sadd.s32 @!p0 s3, s7;
	s7 =	simm.s32 @!p0 $0x108  }
0x21: {  	s3 =	sadd.s32 s3, s9;
	s6 =	sadd.s32 @!p0 $0x88, s6;
	s7 =	simm.s32 @p2 $0x1082  }
0x22: {  	[simem:s7], [sflag:s8] =	dma.local @!p0 [hbm:s6], $0xF7A  }
0x23: {  	s9 =	sor.u32 $0xD0000000, s2;
	s6 =	simm.s32 $0x108;
	_ =	swait.ge @!p0 [sflag:s8], $0x0  }
0x24: {  	s3 =	sadd.s32 $0x88, s3;
	s6 =	simm.s32 @!p1 $0x1082;
	[sflag:s4] =	ssyncset.s32 $0xFFFFF086  }
0x25: {  	[simem:s6], [sflag:s4] =	dma.local [hbm:s3], $0xF7A  }
0x26: {  	[smem:$0x3F92] =	sst s1;
	(tag) =	ssettag s2;
	_ =	strace s9  }
0x27: {  	s1 =	sld [smem:$0x3FA2]  }
0x28: {  	s2 =	sld [smem:$0x3FA3]  }
0x29: {  	s4 =	sld [smem:$0x3FA5]  }
0x2a: {  	p0 =	seq.s32 s5, $0x0;
	s5 =	sld [smem:$0x3FA6]  }
0x2b: {  	s6 =	sld [smem:$0x3FA7]  }
0x2c: {  	s7 =	sld [smem:$0x3FA8]  }
0x2d: {  	s3 =	simm.s32 $0x108;
	s8 =	sld [smem:$0x3FA9]  }
0x2e: {  	s3 =	simm.s32 @!p0 $0x1082;
	s9 =	sld [smem:$0x3FAA]  }
0x2f: {  	lr =	sadd.s32 s0, s3;
	s0 =	sld [smem:$0x3FA1]  }
0x30: {  	s3 =	sld [smem:$0x3FA4]  }
0x31: {  	[smem:$0x3FAD] =	sst s10  }
0x32: {  	s10 =	sld [smem:$0x3FAB];
	_ =	sdelay $0x3  }
0x33: {  	p0 =	seq.s32 s10, $0x1;
	s10 =	sld [smem:$0x3FAD];
	_ =	sdelay $0x3  }
0x34: {  	[smem:$0x3FAD] =	sst s10  }
0x35: {  	s10 =	sld [smem:$0x3FAC];
	_ =	sdelay $0x3  }
0x36: {  	p1 =	seq.s32 s10, $0x1;
	s10 =	sld [smem:$0x3FAD];
	_ =	sdelay $0x3  }
0x37: {  	[smem:$0x3FAD] =	sst s10  }
0x38: {  	s10 =	sld [smem:$0x3FAE]  }
0x39: {  	_ = 	snop;
	(pc) =	sbr.ind lr, $3  }
0x3a: {  	_ = 	snop  }
0x3b: {  	_ = 	snop  }
0x3c: {  	p2 =	seq.s32 s10, $0x1;
	s10 =	sld [smem:$0x3FAD]  }
0x3d: {  	_ =	shalt  }
0x3e: {  	_ =	shalt  }
0x3f: {  	_ =	shalt  }
0x40: {  	_ =	shalt  }
0x41: {  	_ =	shalt  }
0x42: {  	_ =	shalt  }
0x43: {  	_ =	shalt  }
0x44: {  	_ =	shalt  }
0x45: {  	_ =	shalt  }
0x46: {  	_ =	shalt  }
0x47: {  	_ =	shalt  }
0x48: {  	_ =	shalt  }
0x49: {  	_ =	shalt  }
0x4a: {  	_ =	shalt  }
0x4b: {  	_ =	shalt  }
0x4c: {  	_ =	shalt  }
0x4d: {  	_ =	shalt  }
0x4e: {  	_ =	shalt  }
0x4f: {  	_ =	shalt  }
0x50: {  	_ =	shalt  }
0x51: {  	_ =	shalt  }
0x52: {  	_ =	shalt  }
0x53: {  	_ =	shalt  }
0x54: {  	_ =	shalt  }
0x55: {  	_ =	shalt  }
0x56: {  	_ =	shalt  }
0x57: {  	_ =	shalt  }
0x58: {  	_ =	shalt  }
0x59: {  	_ =	shalt  }
0x5a: {  	_ =	shalt  }
0x5b: {  	_ =	shalt  }
0x5c: {  	_ =	shalt  }
0x5d: {  	_ =	shalt  }
0x5e: {  	_ =	shalt  }
0x5f: {  	_ =	shalt  }
0x60: {  	_ =	shalt  }
0x61: {  	_ =	shalt  }
0x62: {  	_ =	shalt  }
0x63: {  	_ =	shalt  }
0x64: {  	_ =	shalt  }
0x65: {  	_ =	shalt  }
0x66: {  	_ =	shalt  }
0x67: {  	_ =	shalt  }
0x68: {  	_ =	shalt  }
0x69: {  	_ =	shalt  }
0x6a: {  	_ =	shalt  }
0x6b: {  	_ =	shalt  }
0x6c: {  	_ =	shalt  }
0x6d: {  	_ =	shalt  }
0x6e: {  	_ =	shalt  }
0x6f: {  	_ =	shalt  }
0x70: {  	_ =	shalt  }
0x71: {  	_ =	shalt  }
0x72: {  	_ =	shalt  }
0x73: {  	_ =	shalt  }
0x74: {  	_ =	shalt  }
0x75: {  	_ =	shalt  }
0x76: {  	_ =	shalt  }
0x77: {  	_ =	shalt  }
0x78: {  	_ =	shalt  }
0x79: {  	_ =	shalt  }
0x7a: {  	_ =	shalt  }
0x7b: {  	_ =	shalt  }
0x7c: {  	_ =	shalt  }
0x7d: {  	_ =	shalt  }
0x7e: {  	_ =	shalt  }
0x7f: {  	_ =	shalt  }
0x80: {  	_ =	shalt  }
0x81: {  	_ =	shalt  }
0x82: {  	_ =	shalt  }
0x83: {  	_ =	shalt  }
0x84: {  	_ =	shalt  }
0x85: {  	_ =	shalt  }
0x86: {  	_ =	shalt  }
0x87: {  	_ =	shalt  }
.Lfunc_end0:
.L_simem_size_0:
called_computation_lowered:
.L_overlay_start_0:
0x88: {  	s2 =	sld [smem:$0x3FD9]  }
0x89: {  	s3 =	sld [smem:$0x3FFE];
	_ =	sdelay $0x1  }
0x8a: {  	s1 =	srdreg.scid  }
0x8b: {  	s0 =	sand.u32 $0x1, s1  }
0x8c: {  	s16 =	sshll.u32 s0, $0xA;
	s2 =	sadd.s32 s3, s2  }
0x8d: {  	s2 =	sadd.s32 s2, s16  }
0x8e: {  	[smem:$0x3FB9] =	sst s2  }
0x8f: {  	_ = 	snop  }
0x90: {  	(tm) =	ssettm $0x1  }
0x91: {  	s17 =	sld [smem:$0x3FFB];
	_ =	sdelay $0x3  }
0x92: {  	_ =	strace s17  }
0x93: {  	s2 =	sld [smem:$0x3FFC];
	_ =	sdelay $0x3  }
0x94: {  	_ =	strace s2  }
0x95: {  	s2 =	sld [smem:$0x3FFD];
	_ =	sdelay $0x3  }
0x96: {  	_ =	strace s2  }
0x97: {  	_ =	strace $0x8FFFFFFF  }
0x98: {  	s18 =	sld [smem:$0x3FDB];
	_ =	sdelay $0x1  }
0x99: {  	s19 =	simm.s32 $_scs_section_size  }
0x9a: {  	s4 =	simm.s32 $_size__tile_overlayer_lowered;
	s5 =	simm.s32 $_tile_overlayer_lowered  }
0x9b: {  	s22 =	simm.s32 $0x1BFF;
	s21 =	sshll.u32 s5, $0x1;
	s2 =	sadd.s32 s19, s18  }
0x9c: {  	s6 =	simm.s32 $0x0;
	s20 =	sshll.u32 s4, $0x1;
	s4 =	sadd.s32 s21, s2  }
0x9d: {  	[timem:s6], [sflag:s22] =	dma.local [hbm:s4], s20  }
0x9e: {  	_ =	swait.ge [sflag:s22], s20  }
0x9f: {  	s3 =	ssub.s32 $0x0, s20;
	[sflag:s22] =	ssyncset.done $0x0  }
0xa0: {  	[sflag:s22] =	ssyncadd.s32 s3;
	_ =	sdelay $0x1  }
0xa1: {  	s23 =	simm.s32 $0x1B8B  }
0xa2: {  	_ =	swait.ge [sflag:s23], $0x1  }
0xa3: {  	[sflag:s23] =	ssyncset.done $0x0  }
0xa4: {  	s25 =	simm.s32 $0x1B8E;
	s24 =	sld [smem:$0x3FFE];
	[sflag:s23] =	ssyncadd.s32 $0xFFFFFFFF  }
0xa5: {  	s26 =	simm.s32 $execute0_lowered;
	[smem:$0x3FD2] =	sst s25  }
0xa6: {  	s4 =	sshll.u32 s26, $0x1;
	_ =	strace $0x80000046;
	[dreg:$0x1] =	wrdreg $0xFFFFFFFF  }
0xa7: {  	s28 =	simm.s32 $_size_execute0_lowered;
	s2 =	sadd.s32 s2, s4;
	[dreg:$0x0] =	wrdreg $0x0  }
0xa8: {  	s4 =	sshll.u32 s28, $0x1;
	[dreg:$0x2] =	wrdreg s2  }
0xa9: {  	[dreg:$0x3] =	wrdreg s4  }
0xaa: {  	[dreg:$0x4] =	wrdreg $0xC0  }
0xab: {  	_ =	task [dreg:s6], $0x5FFFF  }
0xac: {  	[dreg:$0x1] =	wrdreg $0xFFFFFFFF  }
0xad: {  	[dreg:$0x0] =	wrdreg $0x60  }
0xae: {  	[dreg:$0x2] =	wrdreg s24  }
0xaf: {  	[dreg:$0x3] =	wrdreg $0x2000  }
0xb0: {  	[dreg:$0x4] =	wrdreg $0x9  }
0xb1: {  	_ =	task.clear_ibuf [dreg:s6], $0x5FFFF;
	_ =	strace $0x90000046  }
0xb2: {  	s29 =	simm.s32 $0x9;
	_ =	strace $0x80000048  }
0xb3: {  	_ =	swait.ge [sflag:s29], $0x1  }
0xb4: {  	[sflag:s29] =	ssyncadd.s32 $0xFFFFFFFF  }
0xb5: {  	_ =	strace $0x90000048  }
0xb6: {  	_ =	sfence  }
0xb7: {  	s30 =	sld [smem:$0x0];
	_ =	sdelay $0x2  }
0xb8: {  	s31 =	sshll.u32 s1, $0xD;
	s1 =	sshrl.u32 s1, $0x2  }
0xb9: {  	s3 =	sand.u32 $0x4000, s31;
	s1 =	sadd.s32 s1, s30  }
0xba: {  	s0 =	sor.u32 s3, s0;
	s1 =	sshll.u32 s1, $0x11  }
0xbb: {  	s0 =	sor.u32 s1, s0  }
0xbc: {  	s0 =	sadd.s32 $0x8F2B, s0  }
0xbd: {  	[sflag:s0] =	ssyncadd.remote.s32 $0x1  }
0xbe: {  	_ =	sfence.sel $0xFFFF  }
0xbf: {  	[dreg:$0x0] =	wrdreg $0xFFFFFFFF;
	(pc) =	sbr.abs _section_cstart, $3  }
0xc0: {  	[dreg:$0x1] =	wrdreg $0xFFFFFFFF  }
0xc1: {  	_ =	task.clear_ibuf [dreg:s6], $0x2FFFF;
	_ =	strace $0x9FFFFFFF  }
0xc2: {  	(tm) =	ssettm $0x7FFFFFFF  }
0xc3: {  	_ =	shalt  }
tec
execute0_lowered:
.L_overlay_start_1:
0x0: {  	(tag) =	ssettag $0x1  }
0x1: {  	s6 =	rddreg [dreg:$0x0]  }
0x2: {  	s7 =	rddreg [dreg:$0x1]  }
0x3: {  	s0 =	rddreg [dreg:$0x2];
	s1 =	simm.s32 $0x0;
	s2 =	srdreg.scid  }
0x4: {  	s18 =	simm.s32 $0x3;
	s19 =	simm.s32 $0x180;
	s20 =	simm.s32 $0x80  }
0x5: {  	s21 =	simm.s32 $0x4;
	s8 =	sand.u32 $0x1, s2;
	s2 =	stileid.u32  }
0x6: {  	[smem:$0x7FF] =	sst s1;
	s3 =	sadd.s32 $0xC000, s6;
	s10 =	smul.u32 $0x4E000, s2  }
0x7: {  	s22 =	simm.s32 $0x1;
	s12 =	sadd.s32 $0x4FA600, s6;
	s13 =	smul.u32 $0x138800, s8  }
0x8: {  	s4 =	sadd.s32 $0x2200, s6;
	s14 =	sadd.s32 $0x124800, s7;
	s25 =	smul.u32 $0x13800, s2  }
0x9: {  	s5 =	sshll.u32 s8, $0x4;
	s11 =	ssub.s32 $0x2, s8;
	s8 =	smul.u32 $0x27100, s8  }
0xa: {  	_ =	strace $0x80000047;
	s15 =	smul.u32 $0x2710, s2;
	p0 =	seq.s32 s2, $0xF  }
0xb: {  	s9 =	sor.u32 s2, s5;
	s5 =	sadd.s32 $0x4F7E00, s6;
	s23 =	sshrl.u32 s11, $0x1  }
0xc: {  	s17 =	sshll.u32 @!p0 s2, $0x6;
	s14 =	sshrl.u32 @p0 s14, $0x3;
	s9 =	smul.u32 $0x2710, s9  }
0xd: {  	s11 =	ssub.s32 s11, s23;
	s24 =	sshrl.u32 s10, $0x2;
	s26 =	sadd.s32 s25, s13  }
0xe: {  	s28 =	sshrl.u32 s13, $0x3;
	s29 =	sadd.s32 s15, s8;
	s15 =	sor.u32 @!p0 $0x1C05, s17  }
0xf: {  	s17 =	simm.s32 $0x100;
	s23 =	simm.s32 $0x2;
	s16 =	sadd.s32 s24, s7  }
0x10: {  	s10 =	sadd.s32 s12, s28;
	s30 =	sadd.s32 $0x50, s29;
	s24 =	simm.s32 $0x0  }
0x11: {  	s9 =	sshrl.u32 s9, $0x3;
	s31 =	sshrl.u32 s30, $0x3;
	s16 =	sshrl.u32 @!p0 s16, $0x3  }
0x12: {  	s6 =	sadd.s32 s4, s9;
	s7 =	sadd.s32 s3, s9;
	s9 =	sshrl.u32 s26, $0x3  }
0x13: {  	s13 =	sadd.s32 s31, s4;
	s8 =	sadd.s32 s12, s9;
	s9 =	sadd.s32 $0x24900, s10  }
0x14: {  	s10 =	smax.u32 s11, $0x1;
	s11 =	sadd.s32 $0xA0, s29;
	s12 =	sadd.s32 s31, s3  }
.LBB2_1:
0x15: {  	s25 =	simm.s32 @p0 $0x1FC5  }
0x16: {  	[spmem:s14], [sflag:s25] =	dma.local @p0 [hbm:s5], $0x2800  }
0x17: {  	s25 =	simm.s32 @p0 $0x5  }
0x18: {  	_ =	swait.ge @p0 [sflag:s25], $0x2800  }
0x19: {  	[sflag:s25] =	ssyncset.done @p0 $0x0  }
0x1a: {  	[sflag:s25] =	ssyncadd.s32 @p0 $0xFFFFD800;
	s25 =	simm.s32 @!p0 $0x5  }
0x1b: {  	[spmem:s16], [sflag:s15] =	dma.local @!p0 [hbm:s5], $0x2700  }
0x1c: {  	_ =	swait.ge @!p0 [sflag:s25], $0x2700  }
0x1d: {  	[sflag:s25] =	ssyncset.done @!p0 $0x0  }
0x1e: {  	[sflag:s25] =	ssyncadd.s32 @!p0 $0xFFFFD900  }
0x1f: {  	[bflag:$0x0] =	sbarrier.arrive $0xFFFF  }
0x20: {  	[tilespmem:s17], [sflag:$0x1] =	stream.linear.gather [hbm4b:s6+s1], $0x50, $0x38;
	[tilespmem:$0x13A80] =	vst v63  }
0x21: {  	_ = 	snop  }
0x22: {  	[tilespmem:s1], [sflag:$0x3] =	stream.linear.gather [hbm4b:s7+s1], $0x50, $0x38;
	[tilespmem:$0x13A80] =	vst v63  }
0x23: {  	_ =	swait.ge [sflag:s18], $0x50  }
0x24: {  	[sflag:s18] =	ssyncset.done $0x0  }
0x25: {  	s29 =	sadd.s32 $0x0, s13;
	[sflag:s18] =	ssyncadd.s32 $0xFFFFFFB0  }
0x26: {  	[tilespmem:s19], [sflag:$0x2] =	stream.linear.gather [hbm4b:s29+s1], $0x50, $0x38;
	[tilespmem:$0x13A80] =	vst v63  }
0x27: {  	s30 =	sadd.s32 $0x0, s12  }
0x28: {  	[tilespmem:s20], [sflag:$0x4] =	stream.linear.gather [hbm4b:s30+s1], $0x50, $0x38;
	[tilespmem:$0x13A80] =	vst v63  }
0x29: {  	_ =	swait.ge [sflag:s21], $0x50  }
0x2a: {  	[sflag:s21] =	ssyncset.done $0x0  }
0x2b: {  	[sflag:s21] =	ssyncadd.s32 $0xFFFFFFB0  }
0x2c: {  	_ =	swait.ge [sflag:s22], $0x50  }
0x2d: {  	s31 =	sshrl.u32 s11, $0x3;
	[sflag:s22] =	ssyncset.done $0x0  }
0x2e: {  	s26 =	sadd.s32 s4, s31;
	[sflag:s22] =	ssyncadd.s32 $0xFFFFFFB0  }
0x2f: {  	[tilespmem:s17], [sflag:$0x1] =	stream.linear.gather [hbm4b:s26+s1], $0x50, $0x38;
	[tilespmem:$0x13A80] =	vst v63  }
0x30: {  	s25 =	sadd.s32 s3, s31  }
0x31: {  	[tilespmem:s1], [sflag:$0x3] =	stream.linear.gather [hbm4b:s25+s1], $0x50, $0x38;
	[tilespmem:$0x13A80] =	vst v63  }
0x32: {  	_ =	swait.ge [sflag:s18], $0x50  }
0x33: {  	[sflag:s18] =	ssyncset.done $0x0  }
0x34: {  	[sflag:s18] =	ssyncadd.s32 $0xFFFFFFB0  }
0x35: {  	s28 =	simm.s32 $0x28;
	_ =	swait.ge [sflag:s23], $0x50  }
0x36: {  	s26 =	simm.s32 $0x14;
	s25 =	sadd.s32 $0xA0, s11;
	[sflag:s23] =	ssyncset.done $0x0  }
.LBB2_2:
0x37: {  	s29 =	sadd.s32 s26, s13  }
0x38: {  	[sflag:s23] =	ssyncadd.s32 $0xFFFFFFB0;
	s30 =	smov.u32 s28;
	s31 =	sadd.s32 $0x14, s28  }
0x39: {  	[tilespmem:s19], [sflag:$0x2] =	stream.linear.gather [hbm4b:s29+s1], $0x50, $0x38;
	[tilespmem:$0x13A80] =	vst v63  }
0x3a: {  	p1 =	sne.s32 s28, $0x4C4;
	s28 =	sadd.s32 s26, s12;
	s26 =	smov.u32 s30  }
0x3b: {  	[tilespmem:s20], [sflag:$0x4] =	stream.linear.gather [hbm4b:s28+s1], $0x50, $0x38;
	[tilespmem:$0x13A80] =	vst v63  }
0x3c: {  	_ =	swait.ge [sflag:s21], $0x50  }
0x3d: {  	[sflag:s21] =	ssyncset.done $0x0  }
0x3e: {  	[sflag:s21] =	ssyncadd.s32 $0xFFFFFFB0  }
0x3f: {  	_ =	swait.ge [sflag:s22], $0x50  }
0x40: {  	s28 =	sshrl.u32 s25, $0x3;
	[sflag:s22] =	ssyncset.done $0x0  }
0x41: {  	s29 =	sadd.s32 s4, s28;
	[sflag:s22] =	ssyncadd.s32 $0xFFFFFFB0  }
0x42: {  	[tilespmem:s17], [sflag:$0x1] =	stream.linear.gather [hbm4b:s29+s1], $0x50, $0x38;
	[tilespmem:$0x13A80] =	vst v63  }
0x43: {  	s28 =	sadd.s32 s3, s28  }
0x44: {  	[tilespmem:s1], [sflag:$0x3] =	stream.linear.gather [hbm4b:s28+s1], $0x50, $0x38;
	[tilespmem:$0x13A80] =	vst v63  }
.Ltmp0:
0x45: {  	_ =	swait.ge [sflag:s18], $0x50;
	(pc) =	sbr.rel @p1 .LBB2_2-.Ltmp0, $4  }
0x46: {  	[sflag:s18] =	ssyncset.done $0x0  }
0x47: {  	[sflag:s18] =	ssyncadd.s32 $0xFFFFFFB0  }
0x48: {  	_ =	swait.ge [sflag:s23], $0x50  }
0x49: {  	s25 =	sadd.s32 $0xA0, s25;
	s28 =	smov.u32 s31;
	[sflag:s23] =	ssyncset.done $0x0  }
0x4a: {  	s28 =	sadd.s32 s26, s13;
	[sflag:s23] =	ssyncadd.s32 $0xFFFFFFB0  }
0x4b: {  	[tilespmem:s19], [sflag:$0x2] =	stream.linear.gather [hbm4b:s28+s1], $0x50, $0x38;
	[tilespmem:$0x13A80] =	vst v63  }
0x4c: {  	s30 =	sadd.s32 s26, s12  }
0x4d: {  	[tilespmem:s20], [sflag:$0x4] =	stream.linear.gather [hbm4b:s30+s1], $0x50, $0x38;
	[tilespmem:$0x13A80] =	vst v63  }
0x4e: {  	_ =	swait.ge [sflag:s21], $0x50  }
0x4f: {  	[sflag:s21] =	ssyncset.done $0x0  }
0x50: {  	[sflag:s21] =	ssyncadd.s32 $0xFFFFFFB0  }
0x51: {  	_ =	swait.ge [sflag:s22], $0x50  }
0x52: {  	s25 =	sshrl.u32 s25, $0x3;
	[sflag:s22] =	ssyncset.done $0x0  }
0x53: {  	s31 =	sadd.s32 s4, s25;
	[sflag:s22] =	ssyncadd.s32 $0xFFFFFFB0  }
0x54: {  	[tilespmem:s17], [sflag:$0x1] =	stream.linear.gather [hbm4b:s31+s1], $0x50, $0x38;
	[tilespmem:$0x13A80] =	vst v63  }
0x55: {  	s25 =	sadd.s32 s3, s25  }
0x56: {  	[tilespmem:s1], [sflag:$0x3] =	stream.linear.gather [hbm4b:s25+s1], $0x50, $0x38;
	[tilespmem:$0x13A80] =	vst v63  }
0x57: {  	_ =	swait.ge [sflag:s18], $0x50  }
0x58: {  	[sflag:s18] =	ssyncset.done $0x0  }
0x59: {  	[sflag:s18] =	ssyncadd.s32 $0xFFFFFFB0  }
0x5a: {  	_ =	swait.ge [sflag:s23], $0x50  }
0x5b: {  	[sflag:s23] =	ssyncset.done $0x0  }
0x5c: {  	[sflag:s23] =	ssyncadd.s32 $0xFFFFFFB0  }
0x5d: {  	_ =	swait.ge [sflag:s22], $0x50  }
0x5e: {  	[sflag:s22] =	ssyncset.done $0x0  }
0x5f: {  	[sflag:s22] =	ssyncadd.s32 $0xFFFFFFB0  }
0x60: {  	s25 =	simm.s32 @p0 $0x1FC5;
	[bflag:$0x0] =	sbarrier.arrive $0xFFFF  }
0x61: {  	[hbm:s9], [sflag:s25] =	dma.local @p0 [spmem:s14], $0x2800  }
0x62: {  	s25 =	simm.s32 @p0 $0x5  }
0x63: {  	s24 =	sadd.s32 $0x1, s24;
	_ =	swait.ge @p0 [sflag:s25], $0x2800  }
0x64: {  	p1 =	sne.s32 s24, s10;
	[sflag:s25] =	ssyncset.done @p0 $0x0  }
.Ltmp1:
0x65: {  	[sflag:s25] =	ssyncadd.s32 @p0 $0xFFFFD800;
	s25 =	simm.s32 @!p0 $0x5;
	(pc) =	sbr.rel @p1 .LBB2_1-.Ltmp1, $4  }
0x66: {  	[hbm:s8], [sflag:s15] =	dma.local @!p0 [spmem:s16], $0x2700  }
0x67: {  	_ =	swait.ge @!p0 [sflag:s25], $0x2700  }
0x68: {  	[sflag:s25] =	ssyncset.done @!p0 $0x0  }
0x69: {  	[sflag:s25] =	ssyncadd.s32 @!p0 $0xFFFFD900  }
0x6a: {  	_ =	sfence.sel $0x180000  }
0x6b: {  	[bflag:$0x0] =	sbarrier.arrive $0xFFFF  }
0x6c: {  	p0 =	sne.s32 s2, $0x0;
	_ =	strace $0x90000047  }
0x6d: {  	s0 =	sadd.s32 @!p0 $0x100000, s0;
	[bflag:$0x2] =	sbarrier.arrive $0xFFFF  }
0x6e: {  	[sflag:s0] =	ssyncadd.tile.s32 @!p0 $0x1;
	_ =	shalt  }
.Lfunc_end2:
_tile_overlayer_lowered:
.L_overlay_start_2:
0x6f: {  	(tag) =	ssettag $0x2  }
0x70: {  	s0 =	rddreg [dreg:$0x0];
	s2 =	stileid.u32  }
0x71: {  	s1 =	rddreg [dreg:$0x1];
	p0 =	sne.s32 s2, $0x0  }
0x72: {  	s3 =	rddreg [dreg:$0x2];
	[bflag:$0x3] =	sbarrier.arrive $0xFFFF;
	s2 =	simm.s32 @!p0 $0x1C05  }
0x73: {  	[timem:s3], [sflag:s2] =	dma.local @!p0 [hbm:s0], s1  }
0x74: {  	s0 =	simm.s32 @!p0 $0x5  }
0x75: {  	_ =	swait.ge @!p0 [sflag:s0], s1  }
0x76: {  	s1 =	ssub.s32 @!p0 $0x0, s1;
	[sflag:s0] =	ssyncset.done @!p0 $0x0  }
0x77: {  	[sflag:s0] =	ssyncadd.s32 @!p0 s1  }
0x78: {  	[bflag:$0x3] =	sbarrier.arrive $0xFFFF  }
0x79: {  	_ =	shalt  }

</sc_bundles>
